<compile_context>
chip_gen: v7x
topology: tpu7x:2x2x1
jax: 0.10.2.dev20260603
libtpu: 0.0.44.dev20260713+nightly
codegen_flags: <defaults>
</compile_context>

<pallas_src>
import functools

import jax
import jax.numpy as jnp
from jax import lax
from jax.experimental import pallas as pl
from jax.experimental.pallas import tpu as pltpu
from jax.experimental.pallas import tpu_sc as plsc



def _conv_body(x_ref, wh_ref, b_ref, o_ref, *, taps, rb, relu, chain):
    h, w_out, cout = o_ref.shape[1], o_ref.shape[2], o_ref.shape[3]
    cin_tap = wh_ref.shape[1]
    nb = h // rb

    def body(i, carry):
        base = i * rb
        if chain:
            cols = []
            for t, (dh, dw, coff) in enumerate(taps):
                xs = x_ref[0, pl.ds(base + dh, rb), pl.ds(dw, w_out),
                           pl.ds(coff, cin_tap)]
                cols.append(xs.reshape(rb * w_out, cin_tap).astype(jnp.bfloat16))
            xs_all = jnp.concatenate(cols, axis=1)
            w_all = wh_ref[...].reshape(len(taps) * cin_tap, -1)
            acc = jnp.dot(xs_all, w_all, preferred_element_type=jnp.float32)
        else:
            acc = jnp.zeros((rb * w_out, cout), jnp.float32)
            for t, (dh, dw, coff) in enumerate(taps):
                xs = x_ref[0, pl.ds(base + dh, rb), pl.ds(dw, w_out),
                           pl.ds(coff, cin_tap)]
                xs = xs.reshape(rb * w_out, cin_tap).astype(jnp.bfloat16)
                acc = acc + jnp.dot(xs, wh_ref[t],
                                    preferred_element_type=jnp.float32)
        acc = acc + b_ref[...]
        if relu:
            acc = jnp.maximum(acc, 0.0)
        o_ref[0, pl.ds(base, rb), :, :] = acc.reshape(rb, w_out, cout)
        return carry

    lax.fori_loop(0, nb, body, 0)


def _conv(x, w_taps, bias, taps, out_hw, relu, rb, chain=True):
    b_dim, hp, wp, cin = x.shape
    t, cin_w, cout = w_taps.shape
    h, w_out = out_hw
    wh = w_taps.astype(jnp.bfloat16)
    bias2 = bias.reshape(1, cout)
    return pl.pallas_call(
        functools.partial(_conv_body, taps=taps, rb=rb, relu=relu, chain=chain),
        grid=(b_dim,),
        in_specs=[
            pl.BlockSpec((1, hp, wp, cin), lambda b: (b, 0, 0, 0)),
            pl.BlockSpec((t, cin_w, cout), lambda b: (0, 0, 0)),
            pl.BlockSpec((1, cout), lambda b: (0, 0)),
        ],
        out_specs=pl.BlockSpec((1, h, w_out, cout), lambda b: (b, 0, 0, 0)),
        out_shape=jax.ShapeDtypeStruct((b_dim, h, w_out, cout), jnp.float32),
    )(x, wh, bias2)


def _conv_multi_body(x_ref, w_ref, b_ref, o_ref, *, groups, rb, relu):
    h, w_out = o_ref.shape[1], o_ref.shape[2]
    g, t, cin, cg = w_ref.shape
    nb = h // rb

    def body(i, carry):
        base = i * rb
        accs = []
        for gi, taps in enumerate(groups):
            acc = jnp.zeros((rb * w_out, cg), jnp.float32)
            for ti, (dh, dw, coff) in enumerate(taps):
                xs = x_ref[0, pl.ds(base + dh, rb), pl.ds(dw, w_out),
                           pl.ds(coff, cin)]
                xs = xs.reshape(rb * w_out, cin).astype(jnp.bfloat16)
                acc = acc + jnp.dot(xs, w_ref[gi, ti],
                                    preferred_element_type=jnp.float32)
            acc = acc + b_ref[...]
            if relu:
                acc = jnp.maximum(acc, 0.0)
            accs.append(acc)
        out = jnp.concatenate(accs, axis=1)
        o_ref[0, pl.ds(base, rb), :, :] = out.reshape(rb, w_out, g * cg)
        return carry

    lax.fori_loop(0, nb, body, 0)


def _conv_multi(x, w_gt, bias, groups, out_hw, relu, rb):
    b_dim, hp, wp, cin = x.shape
    g, t, _, cg = w_gt.shape
    h, w_out = out_hw
    wh = w_gt.astype(jnp.bfloat16)
    bias2 = bias.reshape(1, cg)
    out = pl.pallas_call(
        functools.partial(_conv_multi_body, groups=groups, rb=rb, relu=relu),
        grid=(b_dim,),
        in_specs=[
            pl.BlockSpec((1, hp, wp, cin), lambda b: (b, 0, 0, 0)),
            pl.BlockSpec((g, t, cin, cg), lambda b: (0, 0, 0, 0)),
            pl.BlockSpec((1, cg), lambda b: (0, 0)),
        ],
        out_specs=pl.BlockSpec((1, h, w_out, g * cg), lambda b: (b, 0, 0, 0)),
        out_shape=jax.ShapeDtypeStruct((b_dim, h, w_out, g * cg), jnp.float32),
    )(x, wh, bias2)
    return out.reshape(b_dim, h, w_out, g, cg)


def _space_to_depth(xpad):
    b, h2, w2, c = xpad.shape
    m, n = h2 // 2, w2 // 2
    x = xpad.reshape(b, m, 2, n, 2, c)
    x = x.transpose(0, 1, 3, 2, 4, 5)
    return x.reshape(b, m, n, 4 * c)


def _phase_taps_s2(w):
    cin = w.shape[1]
    wt = w.transpose(2, 3, 1, 0)
    taps, wts = [], []
    for kh in range(4):
        for kw in range(4):
            taps.append((kh // 2, kw // 2, ((kh % 2) * 2 + (kw % 2)) * cin))
            wts.append(wt[kh, kw])
    return taps, jnp.stack(wts)


def _conv3x3_taps(w):
    wt = w.transpose(2, 3, 1, 0)
    return jnp.stack([wt[i, j] for i in range(3) for j in range(3)])



_VQ_R = 256
_VQ_KC = 256


def _vq_body(x_ref, x2_ref, cbt_ref, sq_ref, cb_ref, o_ref, zq_ref):
    r = x_ref.shape[0]
    k = cbt_ref.shape[1]
    x = x_ref[...].astype(jnp.bfloat16)
    x2 = x2_ref[...]
    best = jnp.full((r,), jnp.inf, jnp.float32)
    besti = jnp.zeros((r,), jnp.int32)
    for c0 in range(0, k, _VQ_KC):
        mm = jnp.dot(x, cbt_ref[:, c0:c0 + _VQ_KC],
                     preferred_element_type=jnp.float32)
        d = (x2 + sq_ref[:, c0:c0 + _VQ_KC]) - 2.0 * mm
        m = jnp.min(d, axis=1)
        cols = lax.broadcasted_iota(jnp.int32, (r, _VQ_KC), 1)
        idx = jnp.min(jnp.where(d == m[:, None], cols, _VQ_KC), axis=1) + c0
        upd = m < best
        besti = jnp.where(upd, idx, besti)
        best = jnp.where(upd, m, best)
    o_ref[0, 0, :] = besti
    zq = jnp.zeros((r, cb_ref.shape[1]), jnp.float32)
    for c0 in range(0, k, _VQ_KC):
        cols = lax.broadcasted_iota(jnp.int32, (r, _VQ_KC), 1) + c0
        oh = (cols == besti[:, None]).astype(jnp.bfloat16)
        zq = zq + jnp.dot(oh, cb_ref[c0:c0 + _VQ_KC, :],
                          preferred_element_type=jnp.float32)
    zq_ref[...] = zq


def _vq_argmin(flat, codebook):
    n, d = flat.shape
    k = codebook.shape[0]
    nb = n // _VQ_R
    cbt = codebook.T.astype(jnp.bfloat16)
    cb_bf = codebook.astype(jnp.bfloat16)
    sq = jnp.sum(codebook ** 2, axis=1).reshape(1, k)
    x2 = jnp.sum(flat ** 2, axis=1).reshape(n, 1)
    idx3, zq = pl.pallas_call(
        _vq_body,
        grid=(nb,),
        in_specs=[
            pl.BlockSpec((_VQ_R, d), lambda i: (i, 0)),
            pl.BlockSpec((_VQ_R, 1), lambda i: (i, 0)),
            pl.BlockSpec((d, k), lambda i: (0, 0)),
            pl.BlockSpec((1, k), lambda i: (0, 0)),
            pl.BlockSpec((k, d), lambda i: (0, 0)),
        ],
        out_specs=[
            pl.BlockSpec((1, 1, _VQ_R), lambda i: (i, 0, 0)),
            pl.BlockSpec((_VQ_R, d), lambda i: (i, 0)),
        ],
        out_shape=[
            jax.ShapeDtypeStruct((nb, 1, _VQ_R), jnp.int32),
            jax.ShapeDtypeStruct((n, d), jnp.float32),
        ],
    )(flat, x2, cbt, sq, cb_bf)
    return idx3.reshape(n), zq



_SC_NC, _SC_NS = 2, 16
_SC_NW = _SC_NC * _SC_NS


def _sc_gather(codebook, idx):
    n = idx.shape[0]
    d0 = codebook.shape[1]
    d = 128
    codebook = jnp.pad(codebook, ((0, 0), (0, d - d0)))
    bpw = n // _SC_NW
    mesh = plsc.VectorSubcoreMesh(core_axis_name="c", subcore_axis_name="s")

    @functools.partial(
        pl.kernel, mesh=mesh,
        out_type=jax.ShapeDtypeStruct((n, d), jnp.float32),
        scratch_types=[
            pltpu.VMEM((bpw,), jnp.int32),
            pltpu.VMEM((bpw, d), jnp.float32),
            pltpu.SemaphoreType.DMA,
        ],
    )
    def gather_kernel(idx_hbm, cb_hbm, out_hbm, idx_v, rows_v, sem):
        wid = lax.axis_index("s") * _SC_NC + lax.axis_index("c")
        base = wid * bpw
        pltpu.sync_copy(idx_hbm.at[pl.ds(base, bpw)], idx_v)
        pltpu.async_copy(cb_hbm.at[idx_v], rows_v, sem).wait()
        pltpu.sync_copy(rows_v, out_hbm.at[pl.ds(base, bpw)])

    return gather_kernel(idx, codebook)[:, :d0]



def _convt_phase_taps(w, a, b):
    taps, wts = [], []
    for q in (0, 1):
        for r in (0, 1):
            taps.append((q + a, r + b, 0))
            wts.append(w[:, :, 3 - (a + 2 * q), 3 - (b + 2 * r)])
    return taps, jnp.stack(wts)


def _pad_hw(x, p):
    return jnp.pad(x, ((0, 0), (p, p), (p, p), (0, 0)))


def kernel(x, enc_w1, enc_b1, enc_w2, enc_b2, enc_w3, enc_b3, codebook,
           dec_w1, dec_b1, dec_wt1, dec_bt1, dec_wt2, dec_bt2):
    B = x.shape[0]
    taps3x3 = [(i, j, 0) for i in range(3) for j in range(3)]

    x_nhwc = x.transpose(0, 2, 3, 1)
    p1 = _space_to_depth(_pad_hw(x_nhwc, 1))
    t1, w1 = _phase_taps_s2(enc_w1)
    h1 = _conv(p1, w1, enc_b1, t1,
               (112, 112), relu=True, rb=16)
    p2 = _space_to_depth(_pad_hw(h1, 1))
    t2, w2 = _phase_taps_s2(enc_w2)
    h2 = _conv(p2, w2, enc_b2, t2,
               (56, 56), relu=True, rb=8)
    z_e_nhwc = _conv(_pad_hw(h2, 1), _conv3x3_taps(enc_w3), enc_b3,
                     taps3x3, (56, 56), relu=False, rb=14)
    z_e = z_e_nhwc.transpose(0, 3, 1, 2)

    D = codebook.shape[1]
    flat = z_e.reshape(-1, D)
    idx, zq_dec = _vq_argmin(flat, codebook)
    cb_q = codebook.astype(jnp.bfloat16).astype(jnp.float32)
    zq_flat = _sc_gather(cb_q, idx)
    z_q = zq_flat.reshape(z_e.shape)

    zq_nhwc = zq_dec.reshape(z_e.shape).transpose(0, 2, 3, 1)
    d1 = _conv(_pad_hw(zq_nhwc, 1), _conv3x3_taps(dec_w1), dec_b1,
               taps3x3, (56, 56), relu=True, rb=14, chain=False)

    d1p = _pad_hw(d1, 1)
    groups, gwts = [], []
    for a in (0, 1):
        for b in (0, 1):
            taps, wts = _convt_phase_taps(dec_wt1, a, b)
            groups.append(taps)
            gwts.append(wts)
    o4 = _conv_multi(d1p, jnp.stack(gwts), dec_bt1, groups,
                     (56, 56), relu=True, rb=14)
    d2 = o4.reshape(B, 56, 56, 2, 2, 96).transpose(0, 1, 3, 2, 4, 5)
    d2 = d2.reshape(B, 112, 112, 96)

    d2p = _pad_hw(d2, 1)
    cin, cout3 = dec_wt2.shape[0], dec_wt2.shape[1]
    w9 = jnp.zeros((9, cin, 4 * cout3), jnp.float32)
    for a in (0, 1):
        for b in (0, 1):
            p = a * 2 + b
            for q in (0, 1):
                for r in (0, 1):
                    blk = dec_wt2[:, :, 3 - (a + 2 * q), 3 - (b + 2 * r)]
                    w9 = w9.at[(q + a) * 3 + (r + b), :,
                               p * cout3:(p + 1) * cout3].set(blk)
    b12 = jnp.tile(dec_bt2, 4)
    o12 = _conv(d2p, w9, b12, taps3x3, (112, 112), relu=False, rb=16,
                chain=False)
    o = o12.reshape(B, 112, 112, 2, 2, 3)
    x_recon = o.transpose(0, 1, 3, 2, 4, 5).reshape(B, 224, 224, 3)
    x_recon = x_recon.transpose(0, 3, 1, 2)

    return (x_recon, z_e, z_q)

# --- scband reference (transcript-rebuilt; emitter-appended) ---
"""Pipeline reference for scband-vqvae-47914655154527 (READ-ONLY COPY).

The authoritative reference and input builder live on the scoring server;
editing this copy changes nothing except your own understanding.
"""

import jax, jax.numpy as jnp
import numpy as np


def conv2d(x, w, b, stride, padding):
    out = jax.lax.conv_general_dilated(
        x, w, (stride, stride), [(padding, padding), (padding, padding)],
        dimension_numbers=('NCHW', 'OIHW', 'NCHW'))
    return out + b[None, :, None, None]


def conv_transpose2d(x, w, b, stride, padding):
    # w in PyTorch ConvTranspose2d layout [in, out, kh, kw]
    kh = w.shape[2]
    w2 = jnp.flip(w, (2, 3)).transpose(1, 0, 2, 3)  # -> [out, in, kh, kw]
    pad = kh - 1 - padding
    out = jax.lax.conv_general_dilated(
        x, w2, (1, 1), [(pad, pad), (pad, pad)],
        lhs_dilation=(stride, stride),
        dimension_numbers=('NCHW', 'OIHW', 'NCHW'))
    return out + b[None, :, None, None]


def setup_inputs(seed: int = 0) -> dict:
    key = jax.random.key(seed)
    ks = jax.random.split(key, 16)
    B, Cin, H, W = 8, 3, 224, 224
    hid, K, D, Cout = 96, 1024, 64, 3
    x = jax.random.normal(ks[0], (B, Cin, H, W), dtype=jnp.float32)

    def wgt(k, shape, fan_in):
        bound = 1.0 / np.sqrt(fan_in)
        return jax.random.uniform(k, shape, jnp.float32, -bound, bound)

    enc_w1 = wgt(ks[1], (hid, Cin, 4, 4), Cin * 16)
    enc_b1 = wgt(ks[2], (hid,), Cin * 16)
    enc_w2 = wgt(ks[3], (hid, hid, 4, 4), hid * 16)
    enc_b2 = wgt(ks[4], (hid,), hid * 16)
    enc_w3 = wgt(ks[5], (D, hid, 3, 3), hid * 9)
    enc_b3 = wgt(ks[6], (D,), hid * 9)
    codebook = jax.random.uniform(ks[7], (K, D), jnp.float32, -1.0 / K, 1.0 / K)
    dec_w1 = wgt(ks[8], (hid, D, 3, 3), D * 9)
    dec_b1 = wgt(ks[9], (hid,), D * 9)
    dec_wt1 = wgt(ks[10], (hid, hid, 4, 4), hid * 16)  # [in, out, kh, kw]
    dec_bt1 = wgt(ks[11], (hid,), hid * 16)
    dec_wt2 = wgt(ks[12], (hid, Cout, 4, 4), hid * 16)  # [in, out, kh, kw]
    dec_bt2 = wgt(ks[13], (Cout,), hid * 16)
    return {
        'x': x,
        'enc_w1': enc_w1, 'enc_b1': enc_b1,
        'enc_w2': enc_w2, 'enc_b2': enc_b2,
        'enc_w3': enc_w3, 'enc_b3': enc_b3,
        'codebook': codebook,
        'dec_w1': dec_w1, 'dec_b1': dec_b1,
        'dec_wt1': dec_wt1, 'dec_bt1': dec_bt1,
        'dec_wt2': dec_wt2, 'dec_bt2': dec_bt2,
    }


def reference(x, enc_w1, enc_b1, enc_w2, enc_b2, enc_w3, enc_b3, codebook,
              dec_w1, dec_b1, dec_wt1, dec_bt1, dec_wt2, dec_bt2):
    # encoder
    h = jax.nn.relu(conv2d(x, enc_w1, enc_b1, 2, 1))
    h = jax.nn.relu(conv2d(h, enc_w2, enc_b2, 2, 1))
    z_e = conv2d(h, enc_w3, enc_b3, 1, 1)
    # vector quantizer (faithful to torch: view(-1, D) over NCHW layout)
    D = codebook.shape[1]
    K = codebook.shape[0]
    flat = z_e.reshape(-1, D)
    distances = (jnp.sum(flat ** 2, axis=1, keepdims=True)
                 + jnp.sum(codebook ** 2, axis=1)
                 - 2.0 * (flat @ codebook.T))
    encoding_indices = jnp.argmin(distances, axis=1)
    encodings = jax.nn.one_hot(encoding_indices, K, dtype=flat.dtype)
    z_q = (encodings @ codebook).reshape(z_e.shape)
    # decoder
    d = jax.nn.relu(conv2d(z_q, dec_w1, dec_b1, 1, 1))
    d = jax.nn.relu(conv_transpose2d(d, dec_wt1, dec_bt1, 2, 1))
    x_recon = conv_transpose2d(d, dec_wt2, dec_bt2, 2, 1)
    return (x_recon, z_e, z_q)

if __name__ == "__main__":
    import jax
    _d = setup_inputs()
    print(jax.jit(kernel)(*tuple(_d.values())))

</pallas_src>

<mosaic_0001>
#map = affine_map<(d0, d1) -> (0)>
#map1 = affine_map<(d0, d1) -> (0, 0)>
module attributes {stable_mosaic.version = 14 : i64} {
  func.func @gather_kernel(%arg0: i32, %arg1: i32, %arg2: memref<25088xi32, #tpu.memory_space<hbm>>, %arg3: memref<1024x128xf32, #tpu.memory_space<hbm>>, %arg4: memref<25088x128xf32, #tpu.memory_space<hbm>>, %arg5: memref<784xi32, #tpu.memory_space<vmem>>, %arg6: memref<784x128xf32, #tpu.memory_space<vmem>>, %arg7: memref<!tpu.dma_semaphore, #tpu.memory_space<semaphore_mem>>) attributes {dimension_semantics = [#tpu.dimension_semantics<core_parallel>, #tpu.dimension_semantics<subcore_parallel>], iteration_bounds = array<i64: 2, 16>, scalar_prefetch = 0 : i64, scratch_operands = 3 : i64, tpu.core_type = #tpu.core_type<sc_vector_subcore>, window_params = [{transform_indices = #map}, {transform_indices = #map1}, {transform_indices = #map1}]} {
    %mul3A = arith.constant 2 : i32
    %mul3A_0 = arith.muli %arg1, %mul3A : i32
    %add3A = arith.addi %mul3A_0, %arg0 : i32
    %mul3A_1 = arith.constant 784 : i32
    %mul3A_2 = arith.muli %add3A, %mul3A_1 : i32
    "tpu.region"() ({
      %run_scoped3A = tpu.sem_alloc : memref<!tpu.dma_semaphore, #tpu.memory_space<semaphore_mem>>
      %dma_start3A_7 = tpu.memref_slice %arg2[%mul3A_2] : memref<25088xi32, #tpu.memory_space<hbm>> -> memref<784xi32, #tpu.memory_space<hbm>>
      %dma_start3A_8 = tpu.memref_slice %arg2[%mul3A_2] : memref<25088xi32, #tpu.memory_space<hbm>> -> memref<784xi32, #tpu.memory_space<hbm>>
      tpu.enqueue_dma source(%dma_start3A_8 : memref<784xi32, #tpu.memory_space<hbm>>) target(%arg5 : memref<784xi32, #tpu.memory_space<vmem>>) target_semaphore(%run_scoped3A : memref<!tpu.dma_semaphore, #tpu.memory_space<semaphore_mem>>)
      %dma_wait3A_9 = tpu.memref_slice %arg2[%mul3A_2] : memref<25088xi32, #tpu.memory_space<hbm>> -> memref<784xi32, #tpu.memory_space<hbm>>
      %dma_wait3A_10 = tpu.memref_slice %arg2[%mul3A_2] : memref<25088xi32, #tpu.memory_space<hbm>> -> memref<784xi32, #tpu.memory_space<hbm>>
      tpu.wait_dma2 semaphore(%run_scoped3A : memref<!tpu.dma_semaphore, #tpu.memory_space<semaphore_mem>>) src(%dma_wait3A_10 : memref<784xi32, #tpu.memory_space<hbm>>) dst(%arg5 : memref<784xi32, #tpu.memory_space<vmem>>)
      tpu.yield
    }) : () -> ()
    %dma_start3A = arith.constant 0 : i32
    %dma_start3A_3 = arith.constant 0 : i32
    %dma_start3A_4 = tpu.memref_slice %arg3[%dma_start3A, %dma_start3A_3] : memref<1024x128xf32, #tpu.memory_space<hbm>> -> memref<1024x128xf32, #tpu.memory_space<hbm>>
    tpu.enqueue_indirect_dma source(%dma_start3A_4 : memref<1024x128xf32, #tpu.memory_space<hbm>>) target(%arg6 : memref<784x128xf32, #tpu.memory_space<vmem>>) offsets(%arg5 : memref<784xi32, #tpu.memory_space<vmem>>) semaphore(%arg7 : memref<!tpu.dma_semaphore, #tpu.memory_space<semaphore_mem>>)
    %dma_wait3A = arith.constant 0 : i32
    %dma_wait3A_5 = arith.constant 0 : i32
    %dma_wait3A_6 = tpu.memref_slice %arg3[%dma_wait3A, %dma_wait3A_5] : memref<1024x128xf32, #tpu.memory_space<hbm>> -> memref<1024x128xf32, #tpu.memory_space<hbm>>
    tpu.wait_indirect_dma semaphore(%arg7 : memref<!tpu.dma_semaphore, #tpu.memory_space<semaphore_mem>>) src(%dma_wait3A_6 : memref<1024x128xf32, #tpu.memory_space<hbm>>) dst(%arg6 : memref<784x128xf32, #tpu.memory_space<vmem>>)
    "tpu.region"() ({
      %run_scoped3A = tpu.sem_alloc : memref<!tpu.dma_semaphore, #tpu.memory_space<semaphore_mem>>
      %dma_start3A_7 = arith.constant 0 : i32
      %dma_start3A_8 = tpu.memref_slice %arg4[%mul3A_2, %dma_start3A_7] : memref<25088x128xf32, #tpu.memory_space<hbm>> -> memref<784x128xf32, #tpu.memory_space<hbm>>
      %dma_start3A_9 = arith.constant 0 : i32
      %dma_start3A_10 = tpu.memref_slice %arg4[%mul3A_2, %dma_start3A_9] : memref<25088x128xf32, #tpu.memory_space<hbm>> -> memref<784x128xf32, #tpu.memory_space<hbm>>
      tpu.enqueue_dma source(%arg6 : memref<784x128xf32, #tpu.memory_space<vmem>>) target(%dma_start3A_10 : memref<784x128xf32, #tpu.memory_space<hbm>>) target_semaphore(%run_scoped3A : memref<!tpu.dma_semaphore, #tpu.memory_space<semaphore_mem>>)
      %dma_wait3A_11 = arith.constant 0 : i32
      %dma_wait3A_12 = tpu.memref_slice %arg4[%mul3A_2, %dma_wait3A_11] : memref<25088x128xf32, #tpu.memory_space<hbm>> -> memref<784x128xf32, #tpu.memory_space<hbm>>
      %dma_wait3A_13 = arith.constant 0 : i32
      %dma_wait3A_14 = tpu.memref_slice %arg4[%mul3A_2, %dma_wait3A_13] : memref<25088x128xf32, #tpu.memory_space<hbm>> -> memref<784x128xf32, #tpu.memory_space<hbm>>
      tpu.wait_dma2 semaphore(%run_scoped3A : memref<!tpu.dma_semaphore, #tpu.memory_space<semaphore_mem>>) src(%arg6 : memref<784x128xf32, #tpu.memory_space<vmem>>) dst(%dma_wait3A_14 : memref<784x128xf32, #tpu.memory_space<hbm>>)
      tpu.yield
    }) : () -> ()
    return
  }
}

module attributes {stable_mosaic.version = 14 : i64} {
  func.func @_conv_body(%arg0: i32, %arg1: memref<1x113x113x12xf32, #tpu.memory_space<vmem>>, %arg2: memref<16x3x96xbf16, #tpu.memory_space<vmem>>, %arg3: memref<1x96xf32, #tpu.memory_space<vmem>>, %arg4: memref<1x112x112x96xf32, #tpu.memory_space<vmem>>) attributes {dimension_semantics = [#tpu.dimension_semantics<arbitrary>], iteration_bounds = array<i64: 8>, scalar_prefetch = 0 : i64, scratch_operands = 0 : i64, tpu.core_type = #tpu.core_type<tc>, window_params = [{transform_indices = @transform_0, window_bounds = array<i64: 1, 113, 113, 12>}, {pipeline_mode = #tpu.pipeline_mode<synchronous>, transform_indices = @transform_1, window_bounds = array<i64: 16, 3, 96>}, {pipeline_mode = #tpu.pipeline_mode<synchronous>, transform_indices = @transform_2, window_bounds = array<i64: 1, 96>}, {transform_indices = @transform_3, window_bounds = array<i64: 1, 112, 112, 96>}]} {
    %scan3A = arith.constant 0 : i32
    %scan3A_0 = arith.constant 7 : i32
    %scan3A_1 = arith.addi %scan3A, %scan3A_0 : i32
    %scan3A_2 = arith.constant 1 : i32
    scf.for %scan3A_4 = %scan3A to %scan3A_1 step %scan3A_2  : i32 {
      %mul3A = arith.constant 16 : i32
      %mul3A_5 = arith.muli %scan3A_4, %mul3A : i32
      %add3A = arith.constant 0 : i32
      %add3A_6 = arith.addi %mul3A_5, %add3A : i32
      %get3A = arith.constant 0 : index
      %get3A_7 = arith.index_cast %add3A_6 : i32 to index
      %get3A_8 = arith.constant 0 : index
      %get3A_9 = arith.constant 0 : index
      %get3A_10 = vector.load %arg1[%get3A, %get3A_7, %get3A_8, %get3A_9] : memref<1x113x113x12xf32, #tpu.memory_space<vmem>>, vector<1x16x112x3xf32>
      %get3A_11 = vector.shape_cast %get3A_10 : vector<1x16x112x3xf32> to vector<16x112x3xf32>
      %reshape3A = vector.shape_cast %get3A_11 : vector<16x112x3xf32> to vector<1792x3xf32>
      %convert_element_type3A = arith.truncf %reshape3A : vector<1792x3xf32> to vector<1792x3xbf16>
      %add3A_12 = arith.constant 0 : i32
      %add3A_13 = arith.addi %mul3A_5, %add3A_12 : i32
      %get3A_14 = arith.constant 0 : index
      %get3A_15 = arith.index_cast %add3A_13 : i32 to index
      %get3A_16 = arith.constant 0 : index
      %get3A_17 = arith.constant 3 : index
      %get3A_18 = vector.load %arg1[%get3A_14, %get3A_15, %get3A_16, %get3A_17] : memref<1x113x113x12xf32, #tpu.memory_space<vmem>>, vector<1x16x112x3xf32>
      %get3A_19 = vector.shape_cast %get3A_18 : vector<1x16x112x3xf32> to vector<16x112x3xf32>
      %reshape3A_20 = vector.shape_cast %get3A_19 : vector<16x112x3xf32> to vector<1792x3xf32>
      %convert_element_type3A_21 = arith.truncf %reshape3A_20 : vector<1792x3xf32> to vector<1792x3xbf16>
      %add3A_22 = arith.constant 0 : i32
      %add3A_23 = arith.addi %mul3A_5, %add3A_22 : i32
      %get3A_24 = arith.constant 0 : index
      %get3A_25 = arith.index_cast %add3A_23 : i32 to index
      %get3A_26 = arith.constant 1 : index
      %get3A_27 = arith.constant 0 : index
      %get3A_28 = vector.load %arg1[%get3A_24, %get3A_25, %get3A_26, %get3A_27] : memref<1x113x113x12xf32, #tpu.memory_space<vmem>>, vector<1x16x112x3xf32>
      %get3A_29 = vector.shape_cast %get3A_28 : vector<1x16x112x3xf32> to vector<16x112x3xf32>
      %reshape3A_30 = vector.shape_cast %get3A_29 : vector<16x112x3xf32> to vector<1792x3xf32>
      %convert_element_type3A_31 = arith.truncf %reshape3A_30 : vector<1792x3xf32> to vector<1792x3xbf16>
      %add3A_32 = arith.constant 0 : i32
      %add3A_33 = arith.addi %mul3A_5, %add3A_32 : i32
      %get3A_34 = arith.constant 0 : index
      %get3A_35 = arith.index_cast %add3A_33 : i32 to index
      %get3A_36 = arith.constant 1 : index
      %get3A_37 = arith.constant 3 : index
      %get3A_38 = vector.load %arg1[%get3A_34, %get3A_35, %get3A_36, %get3A_37] : memref<1x113x113x12xf32, #tpu.memory_space<vmem>>, vector<1x16x112x3xf32>
      %get3A_39 = vector.shape_cast %get3A_38 : vector<1x16x112x3xf32> to vector<16x112x3xf32>
      %reshape3A_40 = vector.shape_cast %get3A_39 : vector<16x112x3xf32> to vector<1792x3xf32>
      %convert_element_type3A_41 = arith.truncf %reshape3A_40 : vector<1792x3xf32> to vector<1792x3xbf16>
      %add3A_42 = arith.constant 0 : i32
      %add3A_43 = arith.addi %mul3A_5, %add3A_42 : i32
      %get3A_44 = arith.constant 0 : index
      %get3A_45 = arith.index_cast %add3A_43 : i32 to index
      %get3A_46 = arith.constant 0 : index
      %get3A_47 = arith.constant 6 : index
      %get3A_48 = vector.load %arg1[%get3A_44, %get3A_45, %get3A_46, %get3A_47] : memref<1x113x113x12xf32, #tpu.memory_space<vmem>>, vector<1x16x112x3xf32>
      %get3A_49 = vector.shape_cast %get3A_48 : vector<1x16x112x3xf32> to vector<16x112x3xf32>
      %reshape3A_50 = vector.shape_cast %get3A_49 : vector<16x112x3xf32> to vector<1792x3xf32>
      %convert_element_type3A_51 = arith.truncf %reshape3A_50 : vector<1792x3xf32> to vector<1792x3xbf16>
      %add3A_52 = arith.constant 0 : i32
      %add3A_53 = arith.addi %mul3A_5, %add3A_52 : i32
      %get3A_54 = arith.constant 0 : index
      %get3A_55 = arith.index_cast %add3A_53 : i32 to index
      %get3A_56 = arith.constant 0 : index
      %get3A_57 = arith.constant 9 : index
      %get3A_58 = vector.load %arg1[%get3A_54, %get3A_55, %get3A_56, %get3A_57] : memref<1x113x113x12xf32, #tpu.memory_space<vmem>>, vector<1x16x112x3xf32>
      %get3A_59 = vector.shape_cast %get3A_58 : vector<1x16x112x3xf32> to vector<16x112x3xf32>
      %reshape3A_60 = vector.shape_cast %get3A_59 : vector<16x112x3xf32> to vector<1792x3xf32>
      %convert_element_type3A_61 = arith.truncf %reshape3A_60 : vector<1792x3xf32> to vector<1792x3xbf16>
      %add3A_62 = arith.constant 0 : i32
      %add3A_63 = arith.addi %mul3A_5, %add3A_62 : i32
      %get3A_64 = arith.constant 0 : index
      %get3A_65 = arith.index_cast %add3A_63 : i32 to index
      %get3A_66 = arith.constant 1 : index
      %get3A_67 = arith.constant 6 : index
      %get3A_68 = vector.load %arg1[%get3A_64, %get3A_65, %get3A_66, %get3A_67] : memref<1x113x113x12xf32, #tpu.memory_space<vmem>>, vector<1x16x112x3xf32>
      %get3A_69 = vector.shape_cast %get3A_68 : vector<1x16x112x3xf32> to vector<16x112x3xf32>
      %reshape3A_70 = vector.shape_cast %get3A_69 : vector<16x112x3xf32> to vector<1792x3xf32>
      %convert_element_type3A_71 = arith.truncf %reshape3A_70 : vector<1792x3xf32> to vector<1792x3xbf16>
      %add3A_72 = arith.constant 0 : i32
      %add3A_73 = arith.addi %mul3A_5, %add3A_72 : i32
      %get3A_74 = arith.constant 0 : index
      %get3A_75 = arith.index_cast %add3A_73 : i32 to index
      %get3A_76 = arith.constant 1 : index
      %get3A_77 = arith.constant 9 : index
      %get3A_78 = vector.load %arg1[%get3A_74, %get3A_75, %get3A_76, %get3A_77] : memref<1x113x113x12xf32, #tpu.memory_space<vmem>>, vector<1x16x112x3xf32>
      %get3A_79 = vector.shape_cast %get3A_78 : vector<1x16x112x3xf32> to vector<16x112x3xf32>
      %reshape3A_80 = vector.shape_cast %get3A_79 : vector<16x112x3xf32> to vector<1792x3xf32>
      %convert_element_type3A_81 = arith.truncf %reshape3A_80 : vector<1792x3xf32> to vector<1792x3xbf16>
      %add3A_82 = arith.constant 1 : i32
      %add3A_83 = arith.addi %mul3A_5, %add3A_82 : i32
      %get3A_84 = arith.constant 0 : index
      %get3A_85 = arith.index_cast %add3A_83 : i32 to index
      %get3A_86 = arith.constant 0 : index
      %get3A_87 = arith.constant 0 : index
      %get3A_88 = vector.load %arg1[%get3A_84, %get3A_85, %get3A_86, %get3A_87] : memref<1x113x113x12xf32, #tpu.memory_space<vmem>>, vector<1x16x112x3xf32>
      %get3A_89 = vector.shape_cast %get3A_88 : vector<1x16x112x3xf32> to vector<16x112x3xf32>
      %reshape3A_90 = vector.shape_cast %get3A_89 : vector<16x112x3xf32> to vector<1792x3xf32>
      %convert_element_type3A_91 = arith.truncf %reshape3A_90 : vector<1792x3xf32> to vector<1792x3xbf16>
      %add3A_92 = arith.constant 1 : i32
      %add3A_93 = arith.addi %mul3A_5, %add3A_92 : i32
      %get3A_94 = arith.constant 0 : index
      %get3A_95 = arith.index_cast %add3A_93 : i32 to index
      %get3A_96 = arith.constant 0 : index
      %get3A_97 = arith.constant 3 : index
      %get3A_98 = vector.load %arg1[%get3A_94, %get3A_95, %get3A_96, %get3A_97] : memref<1x113x113x12xf32, #tpu.memory_space<vmem>>, vector<1x16x112x3xf32>
      %get3A_99 = vector.shape_cast %get3A_98 : vector<1x16x112x3xf32> to vector<16x112x3xf32>
      %reshape3A_100 = vector.shape_cast %get3A_99 : vector<16x112x3xf32> to vector<1792x3xf32>
      %convert_element_type3A_101 = arith.truncf %reshape3A_100 : vector<1792x3xf32> to vector<1792x3xbf16>
      %add3A_102 = arith.constant 1 : i32
      %add3A_103 = arith.addi %mul3A_5, %add3A_102 : i32
      %get3A_104 = arith.constant 0 : index
      %get3A_105 = arith.index_cast %add3A_103 : i32 to index
      %get3A_106 = arith.constant 1 : index
      %get3A_107 = arith.constant 0 : index
      %get3A_108 = vector.load %arg1[%get3A_104, %get3A_105, %get3A_106, %get3A_107] : memref<1x113x113x12xf32, #tpu.memory_space<vmem>>, vector<1x16x112x3xf32>
      %get3A_109 = vector.shape_cast %get3A_108 : vector<1x16x112x3xf32> to vector<16x112x3xf32>
      %reshape3A_110 = vector.shape_cast %get3A_109 : vector<16x112x3xf32> to vector<1792x3xf32>
      %convert_element_type3A_111 = arith.truncf %reshape3A_110 : vector<1792x3xf32> to vector<1792x3xbf16>
      %add3A_112 = arith.constant 1 : i32
      %add3A_113 = arith.addi %mul3A_5, %add3A_112 : i32
      %get3A_114 = arith.constant 0 : index
      %get3A_115 = arith.index_cast %add3A_113 : i32 to index
      %get3A_116 = arith.constant 1 : index
      %get3A_117 = arith.constant 3 : index
      %get3A_118 = vector.load %arg1[%get3A_114, %get3A_115, %get3A_116, %get3A_117] : memref<1x113x113x12xf32, #tpu.memory_space<vmem>>, vector<1x16x112x3xf32>
      %get3A_119 = vector.shape_cast %get3A_118 : vector<1x16x112x3xf32> to vector<16x112x3xf32>
      %reshape3A_120 = vector.shape_cast %get3A_119 : vector<16x112x3xf32> to vector<1792x3xf32>
      %convert_element_type3A_121 = arith.truncf %reshape3A_120 : vector<1792x3xf32> to vector<1792x3xbf16>
      %add3A_122 = arith.constant 1 : i32
      %add3A_123 = arith.addi %mul3A_5, %add3A_122 : i32
      %get3A_124 = arith.constant 0 : index
      %get3A_125 = arith.index_cast %add3A_123 : i32 to index
      %get3A_126 = arith.constant 0 : index
      %get3A_127 = arith.constant 6 : index
      %get3A_128 = vector.load %arg1[%get3A_124, %get3A_125, %get3A_126, %get3A_127] : memref<1x113x113x12xf32, #tpu.memory_space<vmem>>, vector<1x16x112x3xf32>
      %get3A_129 = vector.shape_cast %get3A_128 : vector<1x16x112x3xf32> to vector<16x112x3xf32>
      %reshape3A_130 = vector.shape_cast %get3A_129 : vector<16x112x3xf32> to vector<1792x3xf32>
      %convert_element_type3A_131 = arith.truncf %reshape3A_130 : vector<1792x3xf32> to vector<1792x3xbf16>
      %add3A_132 = arith.constant 1 : i32
      %add3A_133 = arith.addi %mul3A_5, %add3A_132 : i32
      %get3A_134 = arith.constant 0 : index
      %get3A_135 = arith.index_cast %add3A_133 : i32 to index
      %get3A_136 = arith.constant 0 : index
      %get3A_137 = arith.constant 9 : index
      %get3A_138 = vector.load %arg1[%get3A_134, %get3A_135, %get3A_136, %get3A_137] : memref<1x113x113x12xf32, #tpu.memory_space<vmem>>, vector<1x16x112x3xf32>
      %get3A_139 = vector.shape_cast %get3A_138 : vector<1x16x112x3xf32> to vector<16x112x3xf32>
      %reshape3A_140 = vector.shape_cast %get3A_139 : vector<16x112x3xf32> to vector<1792x3xf32>
      %convert_element_type3A_141 = arith.truncf %reshape3A_140 : vector<1792x3xf32> to vector<1792x3xbf16>
      %add3A_142 = arith.constant 1 : i32
      %add3A_143 = arith.addi %mul3A_5, %add3A_142 : i32
      %get3A_144 = arith.constant 0 : index
      %get3A_145 = arith.index_cast %add3A_143 : i32 to index
      %get3A_146 = arith.constant 1 : index
      %get3A_147 = arith.constant 6 : index
      %get3A_148 = vector.load %arg1[%get3A_144, %get3A_145, %get3A_146, %get3A_147] : memref<1x113x113x12xf32, #tpu.memory_space<vmem>>, vector<1x16x112x3xf32>
      %get3A_149 = vector.shape_cast %get3A_148 : vector<1x16x112x3xf32> to vector<16x112x3xf32>
      %reshape3A_150 = vector.shape_cast %get3A_149 : vector<16x112x3xf32> to vector<1792x3xf32>
      %convert_element_type3A_151 = arith.truncf %reshape3A_150 : vector<1792x3xf32> to vector<1792x3xbf16>
      %add3A_152 = arith.constant 1 : i32
      %add3A_153 = arith.addi %mul3A_5, %add3A_152 : i32
      %get3A_154 = arith.constant 0 : index
      %get3A_155 = arith.index_cast %add3A_153 : i32 to index
      %get3A_156 = arith.constant 1 : index
      %get3A_157 = arith.constant 9 : index
      %get3A_158 = vector.load %arg1[%get3A_154, %get3A_155, %get3A_156, %get3A_157] : memref<1x113x113x12xf32, #tpu.memory_space<vmem>>, vector<1x16x112x3xf32>
      %get3A_159 = vector.shape_cast %get3A_158 : vector<1x16x112x3xf32> to vector<16x112x3xf32>
      %reshape3A_160 = vector.shape_cast %get3A_159 : vector<16x112x3xf32> to vector<1792x3xf32>
      %convert_element_type3A_161 = arith.truncf %reshape3A_160 : vector<1792x3xf32> to vector<1792x3xbf16>
      %concatenate3A = tpu.concatenate %convert_element_type3A, %convert_element_type3A_21, %convert_element_type3A_31, %convert_element_type3A_41, %convert_element_type3A_51, %convert_element_type3A_61, %convert_element_type3A_71, %convert_element_type3A_81, %convert_element_type3A_91, %convert_element_type3A_101, %convert_element_type3A_111, %convert_element_type3A_121, %convert_element_type3A_131, %convert_element_type3A_141, %convert_element_type3A_151, %convert_element_type3A_161 in 1 : vector<1792x3xbf16>, vector<1792x3xbf16>, vector<1792x3xbf16>, vector<1792x3xbf16>, vector<1792x3xbf16>, vector<1792x3xbf16>, vector<1792x3xbf16>, vector<1792x3xbf16>, vector<1792x3xbf16>, vector<1792x3xbf16>, vector<1792x3xbf16>, vector<1792x3xbf16>, vector<1792x3xbf16>, vector<1792x3xbf16>, vector<1792x3xbf16>, vector<1792x3xbf16> -> vector<1792x48xbf16>
      %get3A_162 = arith.constant 0 : index
      %get3A_163 = arith.constant 0 : index
      %get3A_164 = arith.constant 0 : index
      %get3A_165 = vector.load %arg2[%get3A_162, %get3A_163, %get3A_164] : memref<16x3x96xbf16, #tpu.memory_space<vmem>>, vector<16x3x96xbf16>
      %reshape3A_166 = vector.shape_cast %get3A_165 : vector<16x3x96xbf16> to vector<48x96xbf16>
      %dot_general3A = arith.constant dense<0.000000e+00> : vector<1792x96xf32>
      %dot_general3A_167 = tpu.matmul %concatenate3A, %reshape3A_166, %dot_general3A {dimension_numbers = #tpu.dot_dimension_numbers<[1], [0], [0], [1], [0, 0, 1, 1], [], []>, transpose_lhs_hint = false} : vector<1792x48xbf16>, vector<48x96xbf16>, vector<1792x96xf32> -> vector<1792x96xf32>
      %get3A_168 = arith.constant 0 : index
      %get3A_169 = arith.constant 0 : index
      %get3A_170 = vector.load %arg3[%get3A_168, %get3A_169] : memref<1x96xf32, #tpu.memory_space<vmem>>, vector<1x96xf32>
      %add3A_171 = vector.broadcast %get3A_170 : vector<1x96xf32> to vector<1792x96xf32>
      %add3A_172 = arith.addf %dot_general3A_167, %add3A_171 : vector<1792x96xf32>
      %max3A = arith.constant 0.000000e+00 : f32
      %max3A_173 = vector.broadcast %max3A : f32 to vector<1792x96xf32>
      %max3A_174 = arith.maximumf %add3A_172, %max3A_173 : vector<1792x96xf32>
      %reshape3A_175 = vector.shape_cast %max3A_174 : vector<1792x96xf32> to vector<16x112x96xf32>
      %swap3A = arith.constant 0 : index
      %swap3A_176 = arith.index_cast %mul3A_5 : i32 to index
      %swap3A_177 = arith.constant 0 : index
      %swap3A_178 = arith.constant 0 : index
      %swap3A_179 = vector.load %arg4[%swap3A, %swap3A_176, %swap3A_177, %swap3A_178] : memref<1x112x112x96xf32, #tpu.memory_space<vmem>>, vector<1x16x112x96xf32>
      %swap3A_180 = vector.shape_cast %swap3A_179 : vector<1x16x112x96xf32> to vector<16x112x96xf32>
      %swap3A_181 = vector.shape_cast %reshape3A_175 : vector<16x112x96xf32> to vector<1x16x112x96xf32>
      tpu.vector_store %arg4[%swap3A, %swap3A_176, %swap3A_177, %swap3A_178], %swap3A_181 {strides = array<i32>} : memref<1x112x112x96xf32, #tpu.memory_space<vmem>>, vector<1x16x112x96xf32>,
    }
    %scan3A_3 = arith.constant 7 : i32
    return
  }
  func.func @transform_0(%arg0: i32) -> (i32, i32, i32, i32) {
    %c0_i32 = arith.constant 0 : i32
    %c0_i32_0 = arith.constant 0 : i32
    %c0_i32_1 = arith.constant 0 : i32
    %c0_i32_2 = arith.constant 0 : i32
    return %arg0, %c0_i32, %c0_i32_0, %c0_i32_1 : i32, i32, i32, i32
  }
  func.func @transform_1(%arg0: i32) -> (i32, i32, i32) {
    %c0_i32 = arith.constant 0 : i32
    %c0_i32_0 = arith.constant 0 : i32
    %c0_i32_1 = arith.constant 0 : i32
    %c0_i32_2 = arith.constant 0 : i32
    return %c0_i32, %c0_i32_0, %c0_i32_1 : i32, i32, i32
  }
  func.func @transform_2(%arg0: i32) -> (i32, i32) {
    %c0_i32 = arith.constant 0 : i32
    %c0_i32_0 = arith.constant 0 : i32
    %c0_i32_1 = arith.constant 0 : i32
    return %c0_i32, %c0_i32_0 : i32, i32
  }
  func.func @transform_3(%arg0: i32) -> (i32, i32, i32, i32) {
    %c0_i32 = arith.constant 0 : i32
    %c0_i32_0 = arith.constant 0 : i32
    %c0_i32_1 = arith.constant 0 : i32
    %c0_i32_2 = arith.constant 0 : i32
    return %arg0, %c0_i32, %c0_i32_0, %c0_i32_1 : i32, i32, i32, i32
  }
}

module attributes {stable_mosaic.version = 14 : i64} {
  func.func @_conv_body(%arg0: i32, %arg1: memref<1x57x57x384xf32, #tpu.memory_space<vmem>>, %arg2: memref<16x96x96xbf16, #tpu.memory_space<vmem>>, %arg3: memref<1x96xf32, #tpu.memory_space<vmem>>, %arg4: memref<1x56x56x96xf32, #tpu.memory_space<vmem>>) attributes {dimension_semantics = [#tpu.dimension_semantics<arbitrary>], iteration_bounds = array<i64: 8>, scalar_prefetch = 0 : i64, scratch_operands = 0 : i64, tpu.core_type = #tpu.core_type<tc>, window_params = [{transform_indices = @transform_0, window_bounds = array<i64: 1, 57, 57, 384>}, {pipeline_mode = #tpu.pipeline_mode<synchronous>, transform_indices = @transform_1, window_bounds = array<i64: 16, 96, 96>}, {pipeline_mode = #tpu.pipeline_mode<synchronous>, transform_indices = @transform_2, window_bounds = array<i64: 1, 96>}, {transform_indices = @transform_3, window_bounds = array<i64: 1, 56, 56, 96>}]} {
    %scan3A = arith.constant 0 : i32
    %scan3A_0 = arith.constant 7 : i32
    %scan3A_1 = arith.addi %scan3A, %scan3A_0 : i32
    %scan3A_2 = arith.constant 1 : i32
    scf.for %scan3A_4 = %scan3A to %scan3A_1 step %scan3A_2  : i32 {
      %mul3A = arith.constant 8 : i32
      %mul3A_5 = arith.muli %scan3A_4, %mul3A : i32
      %add3A = arith.constant 0 : i32
      %add3A_6 = arith.addi %mul3A_5, %add3A : i32
      %get3A = arith.constant 0 : index
      %get3A_7 = arith.index_cast %add3A_6 : i32 to index
      %get3A_8 = arith.constant 0 : index
      %get3A_9 = arith.constant 0 : index
      %get3A_10 = vector.load %arg1[%get3A, %get3A_7, %get3A_8, %get3A_9] : memref<1x57x57x384xf32, #tpu.memory_space<vmem>>, vector<1x8x56x96xf32>
      %get3A_11 = vector.shape_cast %get3A_10 : vector<1x8x56x96xf32> to vector<8x56x96xf32>
      %reshape3A = vector.shape_cast %get3A_11 : vector<8x56x96xf32> to vector<448x96xf32>
      %convert_element_type3A = arith.truncf %reshape3A : vector<448x96xf32> to vector<448x96xbf16>
      %add3A_12 = arith.constant 0 : i32
      %add3A_13 = arith.addi %mul3A_5, %add3A_12 : i32
      %get3A_14 = arith.constant 0 : index
      %get3A_15 = arith.index_cast %add3A_13 : i32 to index
      %get3A_16 = arith.constant 0 : index
      %get3A_17 = arith.constant 96 : index
      %get3A_18 = vector.load %arg1[%get3A_14, %get3A_15, %get3A_16, %get3A_17] : memref<1x57x57x384xf32, #tpu.memory_space<vmem>>, vector<1x8x56x96xf32>
      %get3A_19 = vector.shape_cast %get3A_18 : vector<1x8x56x96xf32> to vector<8x56x96xf32>
      %reshape3A_20 = vector.shape_cast %get3A_19 : vector<8x56x96xf32> to vector<448x96xf32>
      %convert_element_type3A_21 = arith.truncf %reshape3A_20 : vector<448x96xf32> to vector<448x96xbf16>
      %add3A_22 = arith.constant 0 : i32
      %add3A_23 = arith.addi %mul3A_5, %add3A_22 : i32
      %get3A_24 = arith.constant 0 : index
      %get3A_25 = arith.index_cast %add3A_23 : i32 to index
      %get3A_26 = arith.constant 1 : index
      %get3A_27 = arith.constant 0 : index
      %get3A_28 = vector.load %arg1[%get3A_24, %get3A_25, %get3A_26, %get3A_27] : memref<1x57x57x384xf32, #tpu.memory_space<vmem>>, vector<1x8x56x96xf32>
      %get3A_29 = vector.shape_cast %get3A_28 : vector<1x8x56x96xf32> to vector<8x56x96xf32>
      %reshape3A_30 = vector.shape_cast %get3A_29 : vector<8x56x96xf32> to vector<448x96xf32>
      %convert_element_type3A_31 = arith.truncf %reshape3A_30 : vector<448x96xf32> to vector<448x96xbf16>
      %add3A_32 = arith.constant 0 : i32
      %add3A_33 = arith.addi %mul3A_5, %add3A_32 : i32
      %get3A_34 = arith.constant 0 : index
      %get3A_35 = arith.index_cast %add3A_33 : i32 to index
      %get3A_36 = arith.constant 1 : index
      %get3A_37 = arith.constant 96 : index
      %get3A_38 = vector.load %arg1[%get3A_34, %get3A_35, %get3A_36, %get3A_37] : memref<1x57x57x384xf32, #tpu.memory_space<vmem>>, vector<1x8x56x96xf32>
      %get3A_39 = vector.shape_cast %get3A_38 : vector<1x8x56x96xf32> to vector<8x56x96xf32>
      %reshape3A_40 = vector.shape_cast %get3A_39 : vector<8x56x96xf32> to vector<448x96xf32>
      %convert_element_type3A_41 = arith.truncf %reshape3A_40 : vector<448x96xf32> to vector<448x96xbf16>
      %add3A_42 = arith.constant 0 : i32
      %add3A_43 = arith.addi %mul3A_5, %add3A_42 : i32
      %get3A_44 = arith.constant 0 : index
      %get3A_45 = arith.index_cast %add3A_43 : i32 to index
      %get3A_46 = arith.constant 0 : index
      %get3A_47 = arith.constant 192 : index
      %get3A_48 = vector.load %arg1[%get3A_44, %get3A_45, %get3A_46, %get3A_47] : memref<1x57x57x384xf32, #tpu.memory_space<vmem>>, vector<1x8x56x96xf32>
      %get3A_49 = vector.shape_cast %get3A_48 : vector<1x8x56x96xf32> to vector<8x56x96xf32>
      %reshape3A_50 = vector.shape_cast %get3A_49 : vector<8x56x96xf32> to vector<448x96xf32>
      %convert_element_type3A_51 = arith.truncf %reshape3A_50 : vector<448x96xf32> to vector<448x96xbf16>
      %add3A_52 = arith.constant 0 : i32
      %add3A_53 = arith.addi %mul3A_5, %add3A_52 : i32
      %get3A_54 = arith.constant 0 : index
      %get3A_55 = arith.index_cast %add3A_53 : i32 to index
      %get3A_56 = arith.constant 0 : index
      %get3A_57 = arith.constant 288 : index
      %get3A_58 = vector.load %arg1[%get3A_54, %get3A_55, %get3A_56, %get3A_57] : memref<1x57x57x384xf32, #tpu.memory_space<vmem>>, vector<1x8x56x96xf32>
      %get3A_59 = vector.shape_cast %get3A_58 : vector<1x8x56x96xf32> to vector<8x56x96xf32>
      %reshape3A_60 = vector.shape_cast %get3A_59 : vector<8x56x96xf32> to vector<448x96xf32>
      %convert_element_type3A_61 = arith.truncf %reshape3A_60 : vector<448x96xf32> to vector<448x96xbf16>
      %add3A_62 = arith.constant 0 : i32
      %add3A_63 = arith.addi %mul3A_5, %add3A_62 : i32
      %get3A_64 = arith.constant 0 : index
      %get3A_65 = arith.index_cast %add3A_63 : i32 to index
      %get3A_66 = arith.constant 1 : index
      %get3A_67 = arith.constant 192 : index
      %get3A_68 = vector.load %arg1[%get3A_64, %get3A_65, %get3A_66, %get3A_67] : memref<1x57x57x384xf32, #tpu.memory_space<vmem>>, vector<1x8x56x96xf32>
      %get3A_69 = vector.shape_cast %get3A_68 : vector<1x8x56x96xf32> to vector<8x56x96xf32>
      %reshape3A_70 = vector.shape_cast %get3A_69 : vector<8x56x96xf32> to vector<448x96xf32>
      %convert_element_type3A_71 = arith.truncf %reshape3A_70 : vector<448x96xf32> to vector<448x96xbf16>
      %add3A_72 = arith.constant 0 : i32
      %add3A_73 = arith.addi %mul3A_5, %add3A_72 : i32
      %get3A_74 = arith.constant 0 : index
      %get3A_75 = arith.index_cast %add3A_73 : i32 to index
      %get3A_76 = arith.constant 1 : index
      %get3A_77 = arith.constant 288 : index
      %get3A_78 = vector.load %arg1[%get3A_74, %get3A_75, %get3A_76, %get3A_77] : memref<1x57x57x384xf32, #tpu.memory_space<vmem>>, vector<1x8x56x96xf32>
      %get3A_79 = vector.shape_cast %get3A_78 : vector<1x8x56x96xf32> to vector<8x56x96xf32>
      %reshape3A_80 = vector.shape_cast %get3A_79 : vector<8x56x96xf32> to vector<448x96xf32>
      %convert_element_type3A_81 = arith.truncf %reshape3A_80 : vector<448x96xf32> to vector<448x96xbf16>
      %add3A_82 = arith.constant 1 : i32
      %add3A_83 = arith.addi %mul3A_5, %add3A_82 : i32
      %get3A_84 = arith.constant 0 : index
      %get3A_85 = arith.index_cast %add3A_83 : i32 to index
      %get3A_86 = arith.constant 0 : index
      %get3A_87 = arith.constant 0 : index
      %get3A_88 = vector.load %arg1[%get3A_84, %get3A_85, %get3A_86, %get3A_87] : memref<1x57x57x384xf32, #tpu.memory_space<vmem>>, vector<1x8x56x96xf32>
      %get3A_89 = vector.shape_cast %get3A_88 : vector<1x8x56x96xf32> to vector<8x56x96xf32>
      %reshape3A_90 = vector.shape_cast %get3A_89 : vector<8x56x96xf32> to vector<448x96xf32>
      %convert_element_type3A_91 = arith.truncf %reshape3A_90 : vector<448x96xf32> to vector<448x96xbf16>
      %add3A_92 = arith.constant 1 : i32
      %add3A_93 = arith.addi %mul3A_5, %add3A_92 : i32
      %get3A_94 = arith.constant 0 : index
      %get3A_95 = arith.index_cast %add3A_93 : i32 to index
      %get3A_96 = arith.constant 0 : index
      %get3A_97 = arith.constant 96 : index
      %get3A_98 = vector.load %arg1[%get3A_94, %get3A_95, %get3A_96, %get3A_97] : memref<1x57x57x384xf32, #tpu.memory_space<vmem>>, vector<1x8x56x96xf32>
      %get3A_99 = vector.shape_cast %get3A_98 : vector<1x8x56x96xf32> to vector<8x56x96xf32>
      %reshape3A_100 = vector.shape_cast %get3A_99 : vector<8x56x96xf32> to vector<448x96xf32>
      %convert_element_type3A_101 = arith.truncf %reshape3A_100 : vector<448x96xf32> to vector<448x96xbf16>
      %add3A_102 = arith.constant 1 : i32
      %add3A_103 = arith.addi %mul3A_5, %add3A_102 : i32
      %get3A_104 = arith.constant 0 : index
      %get3A_105 = arith.index_cast %add3A_103 : i32 to index
      %get3A_106 = arith.constant 1 : index
      %get3A_107 = arith.constant 0 : index
      %get3A_108 = vector.load %arg1[%get3A_104, %get3A_105, %get3A_106, %get3A_107] : memref<1x57x57x384xf32, #tpu.memory_space<vmem>>, vector<1x8x56x96xf32>
      %get3A_109 = vector.shape_cast %get3A_108 : vector<1x8x56x96xf32> to vector<8x56x96xf32>
      %reshape3A_110 = vector.shape_cast %get3A_109 : vector<8x56x96xf32> to vector<448x96xf32>
      %convert_element_type3A_111 = arith.truncf %reshape3A_110 : vector<448x96xf32> to vector<448x96xbf16>
      %add3A_112 = arith.constant 1 : i32
      %add3A_113 = arith.addi %mul3A_5, %add3A_112 : i32
      %get3A_114 = arith.constant 0 : index
      %get3A_115 = arith.index_cast %add3A_113 : i32 to index
      %get3A_116 = arith.constant 1 : index
      %get3A_117 = arith.constant 96 : index
      %get3A_118 = vector.load %arg1[%get3A_114, %get3A_115, %get3A_116, %get3A_117] : memref<1x57x57x384xf32, #tpu.memory_space<vmem>>, vector<1x8x56x96xf32>
      %get3A_119 = vector.shape_cast %get3A_118 : vector<1x8x56x96xf32> to vector<8x56x96xf32>
      %reshape3A_120 = vector.shape_cast %get3A_119 : vector<8x56x96xf32> to vector<448x96xf32>
      %convert_element_type3A_121 = arith.truncf %reshape3A_120 : vector<448x96xf32> to vector<448x96xbf16>
      %add3A_122 = arith.constant 1 : i32
      %add3A_123 = arith.addi %mul3A_5, %add3A_122 : i32
      %get3A_124 = arith.constant 0 : index
      %get3A_125 = arith.index_cast %add3A_123 : i32 to index
      %get3A_126 = arith.constant 0 : index
      %get3A_127 = arith.constant 192 : index
      %get3A_128 = vector.load %arg1[%get3A_124, %get3A_125, %get3A_126, %get3A_127] : memref<1x57x57x384xf32, #tpu.memory_space<vmem>>, vector<1x8x56x96xf32>
      %get3A_129 = vector.shape_cast %get3A_128 : vector<1x8x56x96xf32> to vector<8x56x96xf32>
      %reshape3A_130 = vector.shape_cast %get3A_129 : vector<8x56x96xf32> to vector<448x96xf32>
      %convert_element_type3A_131 = arith.truncf %reshape3A_130 : vector<448x96xf32> to vector<448x96xbf16>
      %add3A_132 = arith.constant 1 : i32
      %add3A_133 = arith.addi %mul3A_5, %add3A_132 : i32
      %get3A_134 = arith.constant 0 : index
      %get3A_135 = arith.index_cast %add3A_133 : i32 to index
      %get3A_136 = arith.constant 0 : index
      %get3A_137 = arith.constant 288 : index
      %get3A_138 = vector.load %arg1[%get3A_134, %get3A_135, %get3A_136, %get3A_137] : memref<1x57x57x384xf32, #tpu.memory_space<vmem>>, vector<1x8x56x96xf32>
      %get3A_139 = vector.shape_cast %get3A_138 : vector<1x8x56x96xf32> to vector<8x56x96xf32>
      %reshape3A_140 = vector.shape_cast %get3A_139 : vector<8x56x96xf32> to vector<448x96xf32>
      %convert_element_type3A_141 = arith.truncf %reshape3A_140 : vector<448x96xf32> to vector<448x96xbf16>
      %add3A_142 = arith.constant 1 : i32
      %add3A_143 = arith.addi %mul3A_5, %add3A_142 : i32
      %get3A_144 = arith.constant 0 : index
      %get3A_145 = arith.index_cast %add3A_143 : i32 to index
      %get3A_146 = arith.constant 1 : index
      %get3A_147 = arith.constant 192 : index
      %get3A_148 = vector.load %arg1[%get3A_144, %get3A_145, %get3A_146, %get3A_147] : memref<1x57x57x384xf32, #tpu.memory_space<vmem>>, vector<1x8x56x96xf32>
      %get3A_149 = vector.shape_cast %get3A_148 : vector<1x8x56x96xf32> to vector<8x56x96xf32>
      %reshape3A_150 = vector.shape_cast %get3A_149 : vector<8x56x96xf32> to vector<448x96xf32>
      %convert_element_type3A_151 = arith.truncf %reshape3A_150 : vector<448x96xf32> to vector<448x96xbf16>
      %add3A_152 = arith.constant 1 : i32
      %add3A_153 = arith.addi %mul3A_5, %add3A_152 : i32
      %get3A_154 = arith.constant 0 : index
      %get3A_155 = arith.index_cast %add3A_153 : i32 to index
      %get3A_156 = arith.constant 1 : index
      %get3A_157 = arith.constant 288 : index
      %get3A_158 = vector.load %arg1[%get3A_154, %get3A_155, %get3A_156, %get3A_157] : memref<1x57x57x384xf32, #tpu.memory_space<vmem>>, vector<1x8x56x96xf32>
      %get3A_159 = vector.shape_cast %get3A_158 : vector<1x8x56x96xf32> to vector<8x56x96xf32>
      %reshape3A_160 = vector.shape_cast %get3A_159 : vector<8x56x96xf32> to vector<448x96xf32>
      %convert_element_type3A_161 = arith.truncf %reshape3A_160 : vector<448x96xf32> to vector<448x96xbf16>
      %concatenate3A = tpu.concatenate %convert_element_type3A, %convert_element_type3A_21, %convert_element_type3A_31, %convert_element_type3A_41, %convert_element_type3A_51, %convert_element_type3A_61, %convert_element_type3A_71, %convert_element_type3A_81, %convert_element_type3A_91, %convert_element_type3A_101, %convert_element_type3A_111, %convert_element_type3A_121, %convert_element_type3A_131, %convert_element_type3A_141, %convert_element_type3A_151, %convert_element_type3A_161 in 1 : vector<448x96xbf16>, vector<448x96xbf16>, vector<448x96xbf16>, vector<448x96xbf16>, vector<448x96xbf16>, vector<448x96xbf16>, vector<448x96xbf16>, vector<448x96xbf16>, vector<448x96xbf16>, vector<448x96xbf16>, vector<448x96xbf16>, vector<448x96xbf16>, vector<448x96xbf16>, vector<448x96xbf16>, vector<448x96xbf16>, vector<448x96xbf16> -> vector<448x1536xbf16>
      %get3A_162 = arith.constant 0 : index
      %get3A_163 = arith.constant 0 : index
      %get3A_164 = arith.constant 0 : index
      %get3A_165 = vector.load %arg2[%get3A_162, %get3A_163, %get3A_164] : memref<16x96x96xbf16, #tpu.memory_space<vmem>>, vector<16x96x96xbf16>
      %reshape3A_166 = vector.shape_cast %get3A_165 : vector<16x96x96xbf16> to vector<1536x96xbf16>
      %dot_general3A = arith.constant dense<0.000000e+00> : vector<448x96xf32>
      %dot_general3A_167 = tpu.matmul %concatenate3A, %reshape3A_166, %dot_general3A {dimension_numbers = #tpu.dot_dimension_numbers<[1], [0], [0], [1], [0, 0, 1, 1], [], []>, transpose_lhs_hint = false} : vector<448x1536xbf16>, vector<1536x96xbf16>, vector<448x96xf32> -> vector<448x96xf32>
      %get3A_168 = arith.constant 0 : index
      %get3A_169 = arith.constant 0 : index
      %get3A_170 = vector.load %arg3[%get3A_168, %get3A_169] : memref<1x96xf32, #tpu.memory_space<vmem>>, vector<1x96xf32>
      %add3A_171 = vector.broadcast %get3A_170 : vector<1x96xf32> to vector<448x96xf32>
      %add3A_172 = arith.addf %dot_general3A_167, %add3A_171 : vector<448x96xf32>
      %max3A = arith.constant 0.000000e+00 : f32
      %max3A_173 = vector.broadcast %max3A : f32 to vector<448x96xf32>
      %max3A_174 = arith.maximumf %add3A_172, %max3A_173 : vector<448x96xf32>
      %reshape3A_175 = vector.shape_cast %max3A_174 : vector<448x96xf32> to vector<8x56x96xf32>
      %swap3A = arith.constant 0 : index
      %swap3A_176 = arith.index_cast %mul3A_5 : i32 to index
      %swap3A_177 = arith.constant 0 : index
      %swap3A_178 = arith.constant 0 : index
      %swap3A_179 = vector.load %arg4[%swap3A, %swap3A_176, %swap3A_177, %swap3A_178] : memref<1x56x56x96xf32, #tpu.memory_space<vmem>>, vector<1x8x56x96xf32>
      %swap3A_180 = vector.shape_cast %swap3A_179 : vector<1x8x56x96xf32> to vector<8x56x96xf32>
      %swap3A_181 = vector.shape_cast %reshape3A_175 : vector<8x56x96xf32> to vector<1x8x56x96xf32>
      tpu.vector_store %arg4[%swap3A, %swap3A_176, %swap3A_177, %swap3A_178], %swap3A_181 {strides = array<i32>} : memref<1x56x56x96xf32, #tpu.memory_space<vmem>>, vector<1x8x56x96xf32>,
    }
    %scan3A_3 = arith.constant 7 : i32
    return
  }
  func.func @transform_0(%arg0: i32) -> (i32, i32, i32, i32) {
    %c0_i32 = arith.constant 0 : i32
    %c0_i32_0 = arith.constant 0 : i32
    %c0_i32_1 = arith.constant 0 : i32
    %c0_i32_2 = arith.constant 0 : i32
    return %arg0, %c0_i32, %c0_i32_0, %c0_i32_1 : i32, i32, i32, i32
  }
  func.func @transform_1(%arg0: i32) -> (i32, i32, i32) {
    %c0_i32 = arith.constant 0 : i32
    %c0_i32_0 = arith.constant 0 : i32
    %c0_i32_1 = arith.constant 0 : i32
    %c0_i32_2 = arith.constant 0 : i32
    return %c0_i32, %c0_i32_0, %c0_i32_1 : i32, i32, i32
  }
  func.func @transform_2(%arg0: i32) -> (i32, i32) {
    %c0_i32 = arith.constant 0 : i32
    %c0_i32_0 = arith.constant 0 : i32
    %c0_i32_1 = arith.constant 0 : i32
    return %c0_i32, %c0_i32_0 : i32, i32
  }
  func.func @transform_3(%arg0: i32) -> (i32, i32, i32, i32) {
    %c0_i32 = arith.constant 0 : i32
    %c0_i32_0 = arith.constant 0 : i32
    %c0_i32_1 = arith.constant 0 : i32
    %c0_i32_2 = arith.constant 0 : i32
    return %arg0, %c0_i32, %c0_i32_0, %c0_i32_1 : i32, i32, i32, i32
  }
}

module attributes {stable_mosaic.version = 14 : i64} {
  func.func @_conv_body(%arg0: i32, %arg1: memref<1x58x58x96xf32, #tpu.memory_space<vmem>>, %arg2: memref<9x96x64xbf16, #tpu.memory_space<vmem>>, %arg3: memref<1x64xf32, #tpu.memory_space<vmem>>, %arg4: memref<1x56x56x64xf32, #tpu.memory_space<vmem>>) attributes {dimension_semantics = [#tpu.dimension_semantics<arbitrary>], iteration_bounds = array<i64: 8>, scalar_prefetch = 0 : i64, scratch_operands = 0 : i64, tpu.core_type = #tpu.core_type<tc>, window_params = [{transform_indices = @transform_0, window_bounds = array<i64: 1, 58, 58, 96>}, {pipeline_mode = #tpu.pipeline_mode<synchronous>, transform_indices = @transform_1, window_bounds = array<i64: 9, 96, 64>}, {pipeline_mode = #tpu.pipeline_mode<synchronous>, transform_indices = @transform_2, window_bounds = array<i64: 1, 64>}, {transform_indices = @transform_3, window_bounds = array<i64: 1, 56, 56, 64>}]} {
    %scan3A = arith.constant 0 : i32
    %scan3A_0 = arith.constant 4 : i32
    %scan3A_1 = arith.addi %scan3A, %scan3A_0 : i32
    %scan3A_2 = arith.constant 1 : i32
    scf.for %scan3A_4 = %scan3A to %scan3A_1 step %scan3A_2  : i32 {
      %mul3A = arith.constant 14 : i32
      %mul3A_5 = arith.muli %scan3A_4, %mul3A : i32
      %add3A = arith.constant 0 : i32
      %add3A_6 = arith.addi %mul3A_5, %add3A : i32
      %get3A = arith.constant 0 : index
      %get3A_7 = arith.index_cast %add3A_6 : i32 to index
      %get3A_8 = arith.constant 0 : index
      %get3A_9 = arith.constant 0 : index
      %get3A_10 = vector.load %arg1[%get3A, %get3A_7, %get3A_8, %get3A_9] : memref<1x58x58x96xf32, #tpu.memory_space<vmem>>, vector<1x14x56x96xf32>
      %get3A_11 = vector.shape_cast %get3A_10 : vector<1x14x56x96xf32> to vector<14x56x96xf32>
      %reshape3A = vector.shape_cast %get3A_11 : vector<14x56x96xf32> to vector<784x96xf32>
      %convert_element_type3A = arith.truncf %reshape3A : vector<784x96xf32> to vector<784x96xbf16>
      %add3A_12 = arith.constant 0 : i32
      %add3A_13 = arith.addi %mul3A_5, %add3A_12 : i32
      %get3A_14 = arith.constant 0 : index
      %get3A_15 = arith.index_cast %add3A_13 : i32 to index
      %get3A_16 = arith.constant 1 : index
      %get3A_17 = arith.constant 0 : index
      %get3A_18 = vector.load %arg1[%get3A_14, %get3A_15, %get3A_16, %get3A_17] : memref<1x58x58x96xf32, #tpu.memory_space<vmem>>, vector<1x14x56x96xf32>
      %get3A_19 = vector.shape_cast %get3A_18 : vector<1x14x56x96xf32> to vector<14x56x96xf32>
      %reshape3A_20 = vector.shape_cast %get3A_19 : vector<14x56x96xf32> to vector<784x96xf32>
      %convert_element_type3A_21 = arith.truncf %reshape3A_20 : vector<784x96xf32> to vector<784x96xbf16>
      %add3A_22 = arith.constant 0 : i32
      %add3A_23 = arith.addi %mul3A_5, %add3A_22 : i32
      %get3A_24 = arith.constant 0 : index
      %get3A_25 = arith.index_cast %add3A_23 : i32 to index
      %get3A_26 = arith.constant 2 : index
      %get3A_27 = arith.constant 0 : index
      %get3A_28 = vector.load %arg1[%get3A_24, %get3A_25, %get3A_26, %get3A_27] : memref<1x58x58x96xf32, #tpu.memory_space<vmem>>, vector<1x14x56x96xf32>
      %get3A_29 = vector.shape_cast %get3A_28 : vector<1x14x56x96xf32> to vector<14x56x96xf32>
      %reshape3A_30 = vector.shape_cast %get3A_29 : vector<14x56x96xf32> to vector<784x96xf32>
      %convert_element_type3A_31 = arith.truncf %reshape3A_30 : vector<784x96xf32> to vector<784x96xbf16>
      %add3A_32 = arith.constant 1 : i32
      %add3A_33 = arith.addi %mul3A_5, %add3A_32 : i32
      %get3A_34 = arith.constant 0 : index
      %get3A_35 = arith.index_cast %add3A_33 : i32 to index
      %get3A_36 = arith.constant 0 : index
      %get3A_37 = arith.constant 0 : index
      %get3A_38 = vector.load %arg1[%get3A_34, %get3A_35, %get3A_36, %get3A_37] : memref<1x58x58x96xf32, #tpu.memory_space<vmem>>, vector<1x14x56x96xf32>
      %get3A_39 = vector.shape_cast %get3A_38 : vector<1x14x56x96xf32> to vector<14x56x96xf32>
      %reshape3A_40 = vector.shape_cast %get3A_39 : vector<14x56x96xf32> to vector<784x96xf32>
      %convert_element_type3A_41 = arith.truncf %reshape3A_40 : vector<784x96xf32> to vector<784x96xbf16>
      %add3A_42 = arith.constant 1 : i32
      %add3A_43 = arith.addi %mul3A_5, %add3A_42 : i32
      %get3A_44 = arith.constant 0 : index
      %get3A_45 = arith.index_cast %add3A_43 : i32 to index
      %get3A_46 = arith.constant 1 : index
      %get3A_47 = arith.constant 0 : index
      %get3A_48 = vector.load %arg1[%get3A_44, %get3A_45, %get3A_46, %get3A_47] : memref<1x58x58x96xf32, #tpu.memory_space<vmem>>, vector<1x14x56x96xf32>
      %get3A_49 = vector.shape_cast %get3A_48 : vector<1x14x56x96xf32> to vector<14x56x96xf32>
      %reshape3A_50 = vector.shape_cast %get3A_49 : vector<14x56x96xf32> to vector<784x96xf32>
      %convert_element_type3A_51 = arith.truncf %reshape3A_50 : vector<784x96xf32> to vector<784x96xbf16>
      %add3A_52 = arith.constant 1 : i32
      %add3A_53 = arith.addi %mul3A_5, %add3A_52 : i32
      %get3A_54 = arith.constant 0 : index
      %get3A_55 = arith.index_cast %add3A_53 : i32 to index
      %get3A_56 = arith.constant 2 : index
      %get3A_57 = arith.constant 0 : index
      %get3A_58 = vector.load %arg1[%get3A_54, %get3A_55, %get3A_56, %get3A_57] : memref<1x58x58x96xf32, #tpu.memory_space<vmem>>, vector<1x14x56x96xf32>
      %get3A_59 = vector.shape_cast %get3A_58 : vector<1x14x56x96xf32> to vector<14x56x96xf32>
      %reshape3A_60 = vector.shape_cast %get3A_59 : vector<14x56x96xf32> to vector<784x96xf32>
      %convert_element_type3A_61 = arith.truncf %reshape3A_60 : vector<784x96xf32> to vector<784x96xbf16>
      %add3A_62 = arith.constant 2 : i32
      %add3A_63 = arith.addi %mul3A_5, %add3A_62 : i32
      %get3A_64 = arith.constant 0 : index
      %get3A_65 = arith.index_cast %add3A_63 : i32 to index
      %get3A_66 = arith.constant 0 : index
      %get3A_67 = arith.constant 0 : index
      %get3A_68 = vector.load %arg1[%get3A_64, %get3A_65, %get3A_66, %get3A_67] : memref<1x58x58x96xf32, #tpu.memory_space<vmem>>, vector<1x14x56x96xf32>
      %get3A_69 = vector.shape_cast %get3A_68 : vector<1x14x56x96xf32> to vector<14x56x96xf32>
      %reshape3A_70 = vector.shape_cast %get3A_69 : vector<14x56x96xf32> to vector<784x96xf32>
      %convert_element_type3A_71 = arith.truncf %reshape3A_70 : vector<784x96xf32> to vector<784x96xbf16>
      %add3A_72 = arith.constant 2 : i32
      %add3A_73 = arith.addi %mul3A_5, %add3A_72 : i32
      %get3A_74 = arith.constant 0 : index
      %get3A_75 = arith.index_cast %add3A_73 : i32 to index
      %get3A_76 = arith.constant 1 : index
      %get3A_77 = arith.constant 0 : index
      %get3A_78 = vector.load %arg1[%get3A_74, %get3A_75, %get3A_76, %get3A_77] : memref<1x58x58x96xf32, #tpu.memory_space<vmem>>, vector<1x14x56x96xf32>
      %get3A_79 = vector.shape_cast %get3A_78 : vector<1x14x56x96xf32> to vector<14x56x96xf32>
      %reshape3A_80 = vector.shape_cast %get3A_79 : vector<14x56x96xf32> to vector<784x96xf32>
      %convert_element_type3A_81 = arith.truncf %reshape3A_80 : vector<784x96xf32> to vector<784x96xbf16>
      %add3A_82 = arith.constant 2 : i32
      %add3A_83 = arith.addi %mul3A_5, %add3A_82 : i32
      %get3A_84 = arith.constant 0 : index
      %get3A_85 = arith.index_cast %add3A_83 : i32 to index
      %get3A_86 = arith.constant 2 : index
      %get3A_87 = arith.constant 0 : index
      %get3A_88 = vector.load %arg1[%get3A_84, %get3A_85, %get3A_86, %get3A_87] : memref<1x58x58x96xf32, #tpu.memory_space<vmem>>, vector<1x14x56x96xf32>
      %get3A_89 = vector.shape_cast %get3A_88 : vector<1x14x56x96xf32> to vector<14x56x96xf32>
      %reshape3A_90 = vector.shape_cast %get3A_89 : vector<14x56x96xf32> to vector<784x96xf32>
      %convert_element_type3A_91 = arith.truncf %reshape3A_90 : vector<784x96xf32> to vector<784x96xbf16>
      %concatenate3A = tpu.concatenate %convert_element_type3A, %convert_element_type3A_21, %convert_element_type3A_31, %convert_element_type3A_41, %convert_element_type3A_51, %convert_element_type3A_61, %convert_element_type3A_71, %convert_element_type3A_81, %convert_element_type3A_91 in 1 : vector<784x96xbf16>, vector<784x96xbf16>, vector<784x96xbf16>, vector<784x96xbf16>, vector<784x96xbf16>, vector<784x96xbf16>, vector<784x96xbf16>, vector<784x96xbf16>, vector<784x96xbf16> -> vector<784x864xbf16>
      %get3A_92 = arith.constant 0 : index
      %get3A_93 = arith.constant 0 : index
      %get3A_94 = arith.constant 0 : index
      %get3A_95 = vector.load %arg2[%get3A_92, %get3A_93, %get3A_94] : memref<9x96x64xbf16, #tpu.memory_space<vmem>>, vector<9x96x64xbf16>
      %reshape3A_96 = vector.shape_cast %get3A_95 : vector<9x96x64xbf16> to vector<864x64xbf16>
      %dot_general3A = arith.constant dense<0.000000e+00> : vector<784x64xf32>
      %dot_general3A_97 = tpu.matmul %concatenate3A, %reshape3A_96, %dot_general3A {dimension_numbers = #tpu.dot_dimension_numbers<[1], [0], [0], [1], [0, 0, 1, 1], [], []>, transpose_lhs_hint = false} : vector<784x864xbf16>, vector<864x64xbf16>, vector<784x64xf32> -> vector<784x64xf32>
      %get3A_98 = arith.constant 0 : index
      %get3A_99 = arith.constant 0 : index
      %get3A_100 = vector.load %arg3[%get3A_98, %get3A_99] : memref<1x64xf32, #tpu.memory_space<vmem>>, vector<1x64xf32>
      %add3A_101 = vector.broadcast %get3A_100 : vector<1x64xf32> to vector<784x64xf32>
      %add3A_102 = arith.addf %dot_general3A_97, %add3A_101 : vector<784x64xf32>
      %reshape3A_103 = vector.shape_cast %add3A_102 : vector<784x64xf32> to vector<14x56x64xf32>
      %swap3A = arith.constant 0 : index
      %swap3A_104 = arith.index_cast %mul3A_5 : i32 to index
      %swap3A_105 = arith.constant 0 : index
      %swap3A_106 = arith.constant 0 : index
      %swap3A_107 = vector.load %arg4[%swap3A, %swap3A_104, %swap3A_105, %swap3A_106] : memref<1x56x56x64xf32, #tpu.memory_space<vmem>>, vector<1x14x56x64xf32>
      %swap3A_108 = vector.shape_cast %swap3A_107 : vector<1x14x56x64xf32> to vector<14x56x64xf32>
      %swap3A_109 = vector.shape_cast %reshape3A_103 : vector<14x56x64xf32> to vector<1x14x56x64xf32>
      tpu.vector_store %arg4[%swap3A, %swap3A_104, %swap3A_105, %swap3A_106], %swap3A_109 {strides = array<i32>} : memref<1x56x56x64xf32, #tpu.memory_space<vmem>>, vector<1x14x56x64xf32>,
    }
    %scan3A_3 = arith.constant 4 : i32
    return
  }
  func.func @transform_0(%arg0: i32) -> (i32, i32, i32, i32) {
    %c0_i32 = arith.constant 0 : i32
    %c0_i32_0 = arith.constant 0 : i32
    %c0_i32_1 = arith.constant 0 : i32
    %c0_i32_2 = arith.constant 0 : i32
    return %arg0, %c0_i32, %c0_i32_0, %c0_i32_1 : i32, i32, i32, i32
  }
  func.func @transform_1(%arg0: i32) -> (i32, i32, i32) {
    %c0_i32 = arith.constant 0 : i32
    %c0_i32_0 = arith.constant 0 : i32
    %c0_i32_1 = arith.constant 0 : i32
    %c0_i32_2 = arith.constant 0 : i32
    return %c0_i32, %c0_i32_0, %c0_i32_1 : i32, i32, i32
  }
  func.func @transform_2(%arg0: i32) -> (i32, i32) {
    %c0_i32 = arith.constant 0 : i32
    %c0_i32_0 = arith.constant 0 : i32
    %c0_i32_1 = arith.constant 0 : i32
    return %c0_i32, %c0_i32_0 : i32, i32
  }
  func.func @transform_3(%arg0: i32) -> (i32, i32, i32, i32) {
    %c0_i32 = arith.constant 0 : i32
    %c0_i32_0 = arith.constant 0 : i32
    %c0_i32_1 = arith.constant 0 : i32
    %c0_i32_2 = arith.constant 0 : i32
    return %arg0, %c0_i32, %c0_i32_0, %c0_i32_1 : i32, i32, i32, i32
  }
}

module attributes {stable_mosaic.version = 14 : i64} {
  func.func @_vq_body(%arg0: i32, %arg1: memref<256x64xf32, #tpu.memory_space<vmem>>, %arg2: memref<256x1xf32, #tpu.memory_space<vmem>>, %arg3: memref<64x1024xbf16, #tpu.memory_space<vmem>>, %arg4: memref<1x1024xf32, #tpu.memory_space<vmem>>, %arg5: memref<1024x64xbf16, #tpu.memory_space<vmem>>, %arg6: memref<1x1x256xi32, #tpu.memory_space<vmem>>, %arg7: memref<256x64xf32, #tpu.memory_space<vmem>>) attributes {dimension_semantics = [#tpu.dimension_semantics<arbitrary>], iteration_bounds = array<i64: 98>, scalar_prefetch = 0 : i64, scratch_operands = 0 : i64, tpu.core_type = #tpu.core_type<tc>, window_params = [{transform_indices = @transform_0, window_bounds = array<i64: 256, 64>}, {transform_indices = @transform_1, window_bounds = array<i64: 256, 1>}, {pipeline_mode = #tpu.pipeline_mode<synchronous>, transform_indices = @transform_2, window_bounds = array<i64: 64, 1024>}, {pipeline_mode = #tpu.pipeline_mode<synchronous>, transform_indices = @transform_3, window_bounds = array<i64: 1, 1024>}, {pipeline_mode = #tpu.pipeline_mode<synchronous>, transform_indices = @transform_4, window_bounds = array<i64: 1024, 64>}, {transform_indices = @transform_5, window_bounds = array<i64: 1, 1, 256>}, {transform_indices = @transform_6, window_bounds = array<i64: 256, 64>}]} {
    %get3A = arith.constant 0 : index
    %get3A_0 = arith.constant 0 : index
    %get3A_1 = vector.load %arg1[%get3A, %get3A_0] : memref<256x64xf32, #tpu.memory_space<vmem>>, vector<256x64xf32>
    %convert_element_type3A = arith.truncf %get3A_1 : vector<256x64xf32> to vector<256x64xbf16>
    %get3A_2 = arith.constant 0 : index
    %get3A_3 = arith.constant 0 : index
    %get3A_4 = vector.load %arg2[%get3A_2, %get3A_3] : memref<256x1xf32, #tpu.memory_space<vmem>>, vector<256x1xf32>
    %broadcast_in_dim3A = arith.constant 0x7F800000 : f32
    %broadcast_in_dim3A_5 = vector.broadcast %broadcast_in_dim3A : f32 to vector<256xf32>
    %broadcast_in_dim3A_6 = arith.constant 0 : i32
    %broadcast_in_dim3A_7 = vector.broadcast %broadcast_in_dim3A_6 : i32 to vector<256xi32>
    %get3A_8 = arith.constant 0 : index
    %get3A_9 = arith.constant 0 : index
    %get3A_10 = vector.load %arg3[%get3A_8, %get3A_9] : memref<64x1024xbf16, #tpu.memory_space<vmem>>, vector<64x256xbf16>
    %dot_general3A = arith.constant dense<0.000000e+00> : vector<256x256xf32>
    %dot_general3A_11 = tpu.matmul %convert_element_type3A, %get3A_10, %dot_general3A {dimension_numbers = #tpu.dot_dimension_numbers<[1], [0], [0], [1], [0, 0, 1, 1], [], []>, transpose_lhs_hint = false} : vector<256x64xbf16>, vector<64x256xbf16>, vector<256x256xf32> -> vector<256x256xf32>
    %get3A_12 = arith.constant 0 : index
    %get3A_13 = arith.constant 0 : index
    %get3A_14 = vector.load %arg4[%get3A_12, %get3A_13] : memref<1x1024xf32, #tpu.memory_space<vmem>>, vector<1x256xf32>
    %add3A = vector.broadcast %get3A_4 : vector<256x1xf32> to vector<256x256xf32>
    %add3A_15 = vector.broadcast %get3A_14 : vector<1x256xf32> to vector<256x256xf32>
    %add3A_16 = arith.addf %add3A, %add3A_15 : vector<256x256xf32>
    %mul3A = arith.constant 2.000000e+00 : f32
    %mul3A_17 = vector.broadcast %mul3A : f32 to vector<256x256xf32>
    %mul3A_18 = arith.mulf %mul3A_17, %dot_general3A_11 : vector<256x256xf32>
    %sub3A = arith.subf %add3A_16, %mul3A_18 : vector<256x256xf32>
    %reduce_min3A = arith.constant dense<0x7F800000> : vector<256xf32>
    %reduce_min3A_19 = vector.multi_reduction <minimumf>, %sub3A, %reduce_min3A [1] : vector<256x256xf32> to vector<256xf32>
    %iota3A = tpu.iota {dimensions = array<i32: 1>} : vector<256x256xi32>
    %broadcast_in_dim3A_20 = vector.shape_cast %reduce_min3A_19 : vector<256xf32> to vector<256x1xf32>
    %eq3A = vector.broadcast %broadcast_in_dim3A_20 : vector<256x1xf32> to vector<256x256xf32>
    %eq3A_21 = arith.cmpf oeq, %sub3A, %eq3A : vector<256x256xf32>
    %jit3A = arith.constant 256 : i32
    %broadcast_in_dim3A_22 = vector.broadcast %jit3A : i32 to vector<256x256xi32>
    %select_n3A = arith.select %eq3A_21, %iota3A, %broadcast_in_dim3A_22 : vector<256x256xi1>, vector<256x256xi32>
    %reduce_min3A_23 = arith.constant dense<2147483647> : vector<256xi32>
    %reduce_min3A_24 = vector.multi_reduction <minsi>, %select_n3A, %reduce_min3A_23 [1] : vector<256x256xi32> to vector<256xi32>
    %add3A_25 = arith.constant 0 : i32
    %add3A_26 = vector.broadcast %add3A_25 : i32 to vector<256xi32>
    %add3A_27 = arith.addi %reduce_min3A_24, %add3A_26 : vector<256xi32>
    %lt3A = arith.cmpf olt, %reduce_min3A_19, %broadcast_in_dim3A_5 : vector<256xf32>
    %select_n3A_28 = arith.select %lt3A, %add3A_27, %broadcast_in_dim3A_7 : vector<256xi1>, vector<256xi32>
    %select_n3A_29 = arith.select %lt3A, %reduce_min3A_19, %broadcast_in_dim3A_5 : vector<256xi1>, vector<256xf32>
    %get3A_30 = arith.constant 0 : index
    %get3A_31 = arith.constant 256 : index
    %get3A_32 = vector.load %arg3[%get3A_30, %get3A_31] : memref<64x1024xbf16, #tpu.memory_space<vmem>>, vector<64x256xbf16>
    %dot_general3A_33 = arith.constant dense<0.000000e+00> : vector<256x256xf32>
    %dot_general3A_34 = tpu.matmul %convert_element_type3A, %get3A_32, %dot_general3A_33 {dimension_numbers = #tpu.dot_dimension_numbers<[1], [0], [0], [1], [0, 0, 1, 1], [], []>, transpose_lhs_hint = false} : vector<256x64xbf16>, vector<64x256xbf16>, vector<256x256xf32> -> vector<256x256xf32>
    %get3A_35 = arith.constant 0 : index
    %get3A_36 = arith.constant 256 : index
    %get3A_37 = vector.load %arg4[%get3A_35, %get3A_36] : memref<1x1024xf32, #tpu.memory_space<vmem>>, vector<1x256xf32>
    %add3A_38 = vector.broadcast %get3A_4 : vector<256x1xf32> to vector<256x256xf32>
    %add3A_39 = vector.broadcast %get3A_37 : vector<1x256xf32> to vector<256x256xf32>
    %add3A_40 = arith.addf %add3A_38, %add3A_39 : vector<256x256xf32>
    %mul3A_41 = arith.constant 2.000000e+00 : f32
    %mul3A_42 = vector.broadcast %mul3A_41 : f32 to vector<256x256xf32>
    %mul3A_43 = arith.mulf %mul3A_42, %dot_general3A_34 : vector<256x256xf32>
    %sub3A_44 = arith.subf %add3A_40, %mul3A_43 : vector<256x256xf32>
    %reduce_min3A_45 = arith.constant dense<0x7F800000> : vector<256xf32>
    %reduce_min3A_46 = vector.multi_reduction <minimumf>, %sub3A_44, %reduce_min3A_45 [1] : vector<256x256xf32> to vector<256xf32>
    %iota3A_47 = tpu.iota {dimensions = array<i32: 1>} : vector<256x256xi32>
    %broadcast_in_dim3A_48 = vector.shape_cast %reduce_min3A_46 : vector<256xf32> to vector<256x1xf32>
    %eq3A_49 = vector.broadcast %broadcast_in_dim3A_48 : vector<256x1xf32> to vector<256x256xf32>
    %eq3A_50 = arith.cmpf oeq, %sub3A_44, %eq3A_49 : vector<256x256xf32>
    %jit3A_51 = arith.constant 256 : i32
    %broadcast_in_dim3A_52 = vector.broadcast %jit3A_51 : i32 to vector<256x256xi32>
    %select_n3A_53 = arith.select %eq3A_50, %iota3A_47, %broadcast_in_dim3A_52 : vector<256x256xi1>, vector<256x256xi32>
    %reduce_min3A_54 = arith.constant dense<2147483647> : vector<256xi32>
    %reduce_min3A_55 = vector.multi_reduction <minsi>, %select_n3A_53, %reduce_min3A_54 [1] : vector<256x256xi32> to vector<256xi32>
    %add3A_56 = arith.constant 256 : i32
    %add3A_57 = vector.broadcast %add3A_56 : i32 to vector<256xi32>
    %add3A_58 = arith.addi %reduce_min3A_55, %add3A_57 : vector<256xi32>
    %lt3A_59 = arith.cmpf olt, %reduce_min3A_46, %select_n3A_29 : vector<256xf32>
    %select_n3A_60 = arith.select %lt3A_59, %add3A_58, %select_n3A_28 : vector<256xi1>, vector<256xi32>
    %select_n3A_61 = arith.select %lt3A_59, %reduce_min3A_46, %select_n3A_29 : vector<256xi1>, vector<256xf32>
    %get3A_62 = arith.constant 0 : index
    %get3A_63 = arith.constant 512 : index
    %get3A_64 = vector.load %arg3[%get3A_62, %get3A_63] : memref<64x1024xbf16, #tpu.memory_space<vmem>>, vector<64x256xbf16>
    %dot_general3A_65 = arith.constant dense<0.000000e+00> : vector<256x256xf32>
    %dot_general3A_66 = tpu.matmul %convert_element_type3A, %get3A_64, %dot_general3A_65 {dimension_numbers = #tpu.dot_dimension_numbers<[1], [0], [0], [1], [0, 0, 1, 1], [], []>, transpose_lhs_hint = false} : vector<256x64xbf16>, vector<64x256xbf16>, vector<256x256xf32> -> vector<256x256xf32>
    %get3A_67 = arith.constant 0 : index
    %get3A_68 = arith.constant 512 : index
    %get3A_69 = vector.load %arg4[%get3A_67, %get3A_68] : memref<1x1024xf32, #tpu.memory_space<vmem>>, vector<1x256xf32>
    %add3A_70 = vector.broadcast %get3A_4 : vector<256x1xf32> to vector<256x256xf32>
    %add3A_71 = vector.broadcast %get3A_69 : vector<1x256xf32> to vector<256x256xf32>
    %add3A_72 = arith.addf %add3A_70, %add3A_71 : vector<256x256xf32>
    %mul3A_73 = arith.constant 2.000000e+00 : f32
    %mul3A_74 = vector.broadcast %mul3A_73 : f32 to vector<256x256xf32>
    %mul3A_75 = arith.mulf %mul3A_74, %dot_general3A_66 : vector<256x256xf32>
    %sub3A_76 = arith.subf %add3A_72, %mul3A_75 : vector<256x256xf32>
    %reduce_min3A_77 = arith.constant dense<0x7F800000> : vector<256xf32>
    %reduce_min3A_78 = vector.multi_reduction <minimumf>, %sub3A_76, %reduce_min3A_77 [1] : vector<256x256xf32> to vector<256xf32>
    %iota3A_79 = tpu.iota {dimensions = array<i32: 1>} : vector<256x256xi32>
    %broadcast_in_dim3A_80 = vector.shape_cast %reduce_min3A_78 : vector<256xf32> to vector<256x1xf32>
    %eq3A_81 = vector.broadcast %broadcast_in_dim3A_80 : vector<256x1xf32> to vector<256x256xf32>
    %eq3A_82 = arith.cmpf oeq, %sub3A_76, %eq3A_81 : vector<256x256xf32>
    %jit3A_83 = arith.constant 256 : i32
    %broadcast_in_dim3A_84 = vector.broadcast %jit3A_83 : i32 to vector<256x256xi32>
    %select_n3A_85 = arith.select %eq3A_82, %iota3A_79, %broadcast_in_dim3A_84 : vector<256x256xi1>, vector<256x256xi32>
    %reduce_min3A_86 = arith.constant dense<2147483647> : vector<256xi32>
    %reduce_min3A_87 = vector.multi_reduction <minsi>, %select_n3A_85, %reduce_min3A_86 [1] : vector<256x256xi32> to vector<256xi32>
    %add3A_88 = arith.constant 512 : i32
    %add3A_89 = vector.broadcast %add3A_88 : i32 to vector<256xi32>
    %add3A_90 = arith.addi %reduce_min3A_87, %add3A_89 : vector<256xi32>
    %lt3A_91 = arith.cmpf olt, %reduce_min3A_78, %select_n3A_61 : vector<256xf32>
    %select_n3A_92 = arith.select %lt3A_91, %add3A_90, %select_n3A_60 : vector<256xi1>, vector<256xi32>
    %select_n3A_93 = arith.select %lt3A_91, %reduce_min3A_78, %select_n3A_61 : vector<256xi1>, vector<256xf32>
    %get3A_94 = arith.constant 0 : index
    %get3A_95 = arith.constant 768 : index
    %get3A_96 = vector.load %arg3[%get3A_94, %get3A_95] : memref<64x1024xbf16, #tpu.memory_space<vmem>>, vector<64x256xbf16>
    %dot_general3A_97 = arith.constant dense<0.000000e+00> : vector<256x256xf32>
    %dot_general3A_98 = tpu.matmul %convert_element_type3A, %get3A_96, %dot_general3A_97 {dimension_numbers = #tpu.dot_dimension_numbers<[1], [0], [0], [1], [0, 0, 1, 1], [], []>, transpose_lhs_hint = false} : vector<256x64xbf16>, vector<64x256xbf16>, vector<256x256xf32> -> vector<256x256xf32>
    %get3A_99 = arith.constant 0 : index
    %get3A_100 = arith.constant 768 : index
    %get3A_101 = vector.load %arg4[%get3A_99, %get3A_100] : memref<1x1024xf32, #tpu.memory_space<vmem>>, vector<1x256xf32>
    %add3A_102 = vector.broadcast %get3A_4 : vector<256x1xf32> to vector<256x256xf32>
    %add3A_103 = vector.broadcast %get3A_101 : vector<1x256xf32> to vector<256x256xf32>
    %add3A_104 = arith.addf %add3A_102, %add3A_103 : vector<256x256xf32>
    %mul3A_105 = arith.constant 2.000000e+00 : f32
    %mul3A_106 = vector.broadcast %mul3A_105 : f32 to vector<256x256xf32>
    %mul3A_107 = arith.mulf %mul3A_106, %dot_general3A_98 : vector<256x256xf32>
    %sub3A_108 = arith.subf %add3A_104, %mul3A_107 : vector<256x256xf32>
    %reduce_min3A_109 = arith.constant dense<0x7F800000> : vector<256xf32>
    %reduce_min3A_110 = vector.multi_reduction <minimumf>, %sub3A_108, %reduce_min3A_109 [1] : vector<256x256xf32> to vector<256xf32>
    %iota3A_111 = tpu.iota {dimensions = array<i32: 1>} : vector<256x256xi32>
    %broadcast_in_dim3A_112 = vector.shape_cast %reduce_min3A_110 : vector<256xf32> to vector<256x1xf32>
    %eq3A_113 = vector.broadcast %broadcast_in_dim3A_112 : vector<256x1xf32> to vector<256x256xf32>
    %eq3A_114 = arith.cmpf oeq, %sub3A_108, %eq3A_113 : vector<256x256xf32>
    %jit3A_115 = arith.constant 256 : i32
    %broadcast_in_dim3A_116 = vector.broadcast %jit3A_115 : i32 to vector<256x256xi32>
    %select_n3A_117 = arith.select %eq3A_114, %iota3A_111, %broadcast_in_dim3A_116 : vector<256x256xi1>, vector<256x256xi32>
    %reduce_min3A_118 = arith.constant dense<2147483647> : vector<256xi32>
    %reduce_min3A_119 = vector.multi_reduction <minsi>, %select_n3A_117, %reduce_min3A_118 [1] : vector<256x256xi32> to vector<256xi32>
    %add3A_120 = arith.constant 768 : i32
    %add3A_121 = vector.broadcast %add3A_120 : i32 to vector<256xi32>
    %add3A_122 = arith.addi %reduce_min3A_119, %add3A_121 : vector<256xi32>
    %lt3A_123 = arith.cmpf olt, %reduce_min3A_110, %select_n3A_93 : vector<256xf32>
    %select_n3A_124 = arith.select %lt3A_123, %add3A_122, %select_n3A_92 : vector<256xi1>, vector<256xi32>
    %swap3A = arith.constant 0 : index
    %swap3A_125 = arith.constant 0 : index
    %swap3A_126 = arith.constant 0 : index
    %swap3A_127 = vector.load %arg6[%swap3A, %swap3A_125, %swap3A_126] : memref<1x1x256xi32, #tpu.memory_space<vmem>>, vector<1x1x256xi32>
    %swap3A_128 = vector.shape_cast %swap3A_127 : vector<1x1x256xi32> to vector<256xi32>
    %swap3A_129 = vector.shape_cast %select_n3A_124 : vector<256xi32> to vector<1x1x256xi32>
    tpu.vector_store %arg6[%swap3A, %swap3A_125, %swap3A_126], %swap3A_129 {strides = array<i32>} : memref<1x1x256xi32, #tpu.memory_space<vmem>>, vector<1x1x256xi32>,
    %broadcast_in_dim3A_130 = arith.constant 0.000000e+00 : f32
    %broadcast_in_dim3A_131 = vector.broadcast %broadcast_in_dim3A_130 : f32 to vector<256x64xf32>
    %iota3A_132 = tpu.iota {dimensions = array<i32: 1>} : vector<256x256xi32>
    %add3A_133 = arith.constant 0 : i32
    %add3A_134 = vector.broadcast %add3A_133 : i32 to vector<256x256xi32>
    %add3A_135 = arith.addi %iota3A_132, %add3A_134 : vector<256x256xi32>
    %broadcast_in_dim3A_136 = vector.shape_cast %select_n3A_124 : vector<256xi32> to vector<256x1xi32>
    %eq3A_137 = vector.broadcast %broadcast_in_dim3A_136 : vector<256x1xi32> to vector<256x256xi32>
    %eq3A_138 = arith.cmpi eq, %add3A_135, %eq3A_137 : vector<256x256xi32>
    %convert_element_type3A_139 = arith.extui %eq3A_138 : vector<256x256xi1> to vector<256x256xi32>
    %convert_element_type3A_140 = arith.sitofp %convert_element_type3A_139 : vector<256x256xi32> to vector<256x256xf32>
    %convert_element_type3A_141 = arith.truncf %convert_element_type3A_140 : vector<256x256xf32> to vector<256x256xbf16>
    %get3A_142 = arith.constant 0 : index
    %get3A_143 = arith.constant 0 : index
    %get3A_144 = vector.load %arg5[%get3A_142, %get3A_143] : memref<1024x64xbf16, #tpu.memory_space<vmem>>, vector<256x64xbf16>
    %dot_general3A_145 = arith.constant dense<0.000000e+00> : vector<256x64xf32>
    %dot_general3A_146 = tpu.matmul %convert_element_type3A_141, %get3A_144, %dot_general3A_145 {dimension_numbers = #tpu.dot_dimension_numbers<[1], [0], [0], [1], [0, 0, 1, 1], [], []>, transpose_lhs_hint = false} : vector<256x256xbf16>, vector<256x64xbf16>, vector<256x64xf32> -> vector<256x64xf32>
    %add3A_147 = arith.addf %broadcast_in_dim3A_131, %dot_general3A_146 : vector<256x64xf32>
    %iota3A_148 = tpu.iota {dimensions = array<i32: 1>} : vector<256x256xi32>
    %add3A_149 = arith.constant 256 : i32
    %add3A_150 = vector.broadcast %add3A_149 : i32 to vector<256x256xi32>
    %add3A_151 = arith.addi %iota3A_148, %add3A_150 : vector<256x256xi32>
    %broadcast_in_dim3A_152 = vector.shape_cast %select_n3A_124 : vector<256xi32> to vector<256x1xi32>
    %eq3A_153 = vector.broadcast %broadcast_in_dim3A_152 : vector<256x1xi32> to vector<256x256xi32>
    %eq3A_154 = arith.cmpi eq, %add3A_151, %eq3A_153 : vector<256x256xi32>
    %convert_element_type3A_155 = arith.extui %eq3A_154 : vector<256x256xi1> to vector<256x256xi32>
    %convert_element_type3A_156 = arith.sitofp %convert_element_type3A_155 : vector<256x256xi32> to vector<256x256xf32>
    %convert_element_type3A_157 = arith.truncf %convert_element_type3A_156 : vector<256x256xf32> to vector<256x256xbf16>
    %get3A_158 = arith.constant 256 : index
    %get3A_159 = arith.constant 0 : index
    %get3A_160 = vector.load %arg5[%get3A_158, %get3A_159] : memref<1024x64xbf16, #tpu.memory_space<vmem>>, vector<256x64xbf16>
    %dot_general3A_161 = arith.constant dense<0.000000e+00> : vector<256x64xf32>
    %dot_general3A_162 = tpu.matmul %convert_element_type3A_157, %get3A_160, %dot_general3A_161 {dimension_numbers = #tpu.dot_dimension_numbers<[1], [0], [0], [1], [0, 0, 1, 1], [], []>, transpose_lhs_hint = false} : vector<256x256xbf16>, vector<256x64xbf16>, vector<256x64xf32> -> vector<256x64xf32>
    %add3A_163 = arith.addf %add3A_147, %dot_general3A_162 : vector<256x64xf32>
    %iota3A_164 = tpu.iota {dimensions = array<i32: 1>} : vector<256x256xi32>
    %add3A_165 = arith.constant 512 : i32
    %add3A_166 = vector.broadcast %add3A_165 : i32 to vector<256x256xi32>
    %add3A_167 = arith.addi %iota3A_164, %add3A_166 : vector<256x256xi32>
    %broadcast_in_dim3A_168 = vector.shape_cast %select_n3A_124 : vector<256xi32> to vector<256x1xi32>
    %eq3A_169 = vector.broadcast %broadcast_in_dim3A_168 : vector<256x1xi32> to vector<256x256xi32>
    %eq3A_170 = arith.cmpi eq, %add3A_167, %eq3A_169 : vector<256x256xi32>
    %convert_element_type3A_171 = arith.extui %eq3A_170 : vector<256x256xi1> to vector<256x256xi32>
    %convert_element_type3A_172 = arith.sitofp %convert_element_type3A_171 : vector<256x256xi32> to vector<256x256xf32>
    %convert_element_type3A_173 = arith.truncf %convert_element_type3A_172 : vector<256x256xf32> to vector<256x256xbf16>
    %get3A_174 = arith.constant 512 : index
    %get3A_175 = arith.constant 0 : index
    %get3A_176 = vector.load %arg5[%get3A_174, %get3A_175] : memref<1024x64xbf16, #tpu.memory_space<vmem>>, vector<256x64xbf16>
    %dot_general3A_177 = arith.constant dense<0.000000e+00> : vector<256x64xf32>
    %dot_general3A_178 = tpu.matmul %convert_element_type3A_173, %get3A_176, %dot_general3A_177 {dimension_numbers = #tpu.dot_dimension_numbers<[1], [0], [0], [1], [0, 0, 1, 1], [], []>, transpose_lhs_hint = false} : vector<256x256xbf16>, vector<256x64xbf16>, vector<256x64xf32> -> vector<256x64xf32>
    %add3A_179 = arith.addf %add3A_163, %dot_general3A_178 : vector<256x64xf32>
    %iota3A_180 = tpu.iota {dimensions = array<i32: 1>} : vector<256x256xi32>
    %add3A_181 = arith.constant 768 : i32
    %add3A_182 = vector.broadcast %add3A_181 : i32 to vector<256x256xi32>
    %add3A_183 = arith.addi %iota3A_180, %add3A_182 : vector<256x256xi32>
    %broadcast_in_dim3A_184 = vector.shape_cast %select_n3A_124 : vector<256xi32> to vector<256x1xi32>
    %eq3A_185 = vector.broadcast %broadcast_in_dim3A_184 : vector<256x1xi32> to vector<256x256xi32>
    %eq3A_186 = arith.cmpi eq, %add3A_183, %eq3A_185 : vector<256x256xi32>
    %convert_element_type3A_187 = arith.extui %eq3A_186 : vector<256x256xi1> to vector<256x256xi32>
    %convert_element_type3A_188 = arith.sitofp %convert_element_type3A_187 : vector<256x256xi32> to vector<256x256xf32>
    %convert_element_type3A_189 = arith.truncf %convert_element_type3A_188 : vector<256x256xf32> to vector<256x256xbf16>
    %get3A_190 = arith.constant 768 : index
    %get3A_191 = arith.constant 0 : index
    %get3A_192 = vector.load %arg5[%get3A_190, %get3A_191] : memref<1024x64xbf16, #tpu.memory_space<vmem>>, vector<256x64xbf16>
    %dot_general3A_193 = arith.constant dense<0.000000e+00> : vector<256x64xf32>
    %dot_general3A_194 = tpu.matmul %convert_element_type3A_189, %get3A_192, %dot_general3A_193 {dimension_numbers = #tpu.dot_dimension_numbers<[1], [0], [0], [1], [0, 0, 1, 1], [], []>, transpose_lhs_hint = false} : vector<256x256xbf16>, vector<256x64xbf16>, vector<256x64xf32> -> vector<256x64xf32>
    %add3A_195 = arith.addf %add3A_179, %dot_general3A_194 : vector<256x64xf32>
    %swap3A_196 = arith.constant 0 : index
    %swap3A_197 = arith.constant 0 : index
    %swap3A_198 = vector.load %arg7[%swap3A_196, %swap3A_197] : memref<256x64xf32, #tpu.memory_space<vmem>>, vector<256x64xf32>
    tpu.vector_store %arg7[%swap3A_196, %swap3A_197], %add3A_195 {strides = array<i32>} : memref<256x64xf32, #tpu.memory_space<vmem>>, vector<256x64xf32>,
    return
  }
  func.func @transform_0(%arg0: i32) -> (i32, i32) {
    %c0_i32 = arith.constant 0 : i32
    %c0_i32_0 = arith.constant 0 : i32
    return %arg0, %c0_i32 : i32, i32
  }
  func.func @transform_1(%arg0: i32) -> (i32, i32) {
    %c0_i32 = arith.constant 0 : i32
    %c0_i32_0 = arith.constant 0 : i32
    return %arg0, %c0_i32 : i32, i32
  }
  func.func @transform_2(%arg0: i32) -> (i32, i32) {
    %c0_i32 = arith.constant 0 : i32
    %c0_i32_0 = arith.constant 0 : i32
    %c0_i32_1 = arith.constant 0 : i32
    return %c0_i32, %c0_i32_0 : i32, i32
  }
  func.func @transform_3(%arg0: i32) -> (i32, i32) {
    %c0_i32 = arith.constant 0 : i32
    %c0_i32_0 = arith.constant 0 : i32
    %c0_i32_1 = arith.constant 0 : i32
    return %c0_i32, %c0_i32_0 : i32, i32
  }
  func.func @transform_4(%arg0: i32) -> (i32, i32) {
    %c0_i32 = arith.constant 0 : i32
    %c0_i32_0 = arith.constant 0 : i32
    %c0_i32_1 = arith.constant 0 : i32
    return %c0_i32, %c0_i32_0 : i32, i32
  }
  func.func @transform_5(%arg0: i32) -> (i32, i32, i32) {
    %c0_i32 = arith.constant 0 : i32
    %c0_i32_0 = arith.constant 0 : i32
    %c0_i32_1 = arith.constant 0 : i32
    return %arg0, %c0_i32, %c0_i32_0 : i32, i32, i32
  }
  func.func @transform_6(%arg0: i32) -> (i32, i32) {
    %c0_i32 = arith.constant 0 : i32
    %c0_i32_0 = arith.constant 0 : i32
    return %arg0, %c0_i32 : i32, i32
  }
}

module attributes {stable_mosaic.version = 14 : i64} {
  func.func @_conv_body(%arg0: i32, %arg1: memref<1x58x58x64xf32, #tpu.memory_space<vmem>>, %arg2: memref<9x64x96xbf16, #tpu.memory_space<vmem>>, %arg3: memref<1x96xf32, #tpu.memory_space<vmem>>, %arg4: memref<1x56x56x96xf32, #tpu.memory_space<vmem>>) attributes {dimension_semantics = [#tpu.dimension_semantics<arbitrary>], iteration_bounds = array<i64: 8>, scalar_prefetch = 0 : i64, scratch_operands = 0 : i64, tpu.core_type = #tpu.core_type<tc>, window_params = [{transform_indices = @transform_0, window_bounds = array<i64: 1, 58, 58, 64>}, {pipeline_mode = #tpu.pipeline_mode<synchronous>, transform_indices = @transform_1, window_bounds = array<i64: 9, 64, 96>}, {pipeline_mode = #tpu.pipeline_mode<synchronous>, transform_indices = @transform_2, window_bounds = array<i64: 1, 96>}, {transform_indices = @transform_3, window_bounds = array<i64: 1, 56, 56, 96>}]} {
    %scan3A = arith.constant 0 : i32
    %scan3A_0 = arith.constant 4 : i32
    %scan3A_1 = arith.addi %scan3A, %scan3A_0 : i32
    %scan3A_2 = arith.constant 1 : i32
    scf.for %scan3A_4 = %scan3A to %scan3A_1 step %scan3A_2  : i32 {
      %mul3A = arith.constant 14 : i32
      %mul3A_5 = arith.muli %scan3A_4, %mul3A : i32
      %broadcast_in_dim3A = arith.constant 0.000000e+00 : f32
      %broadcast_in_dim3A_6 = vector.broadcast %broadcast_in_dim3A : f32 to vector<784x96xf32>
      %add3A = arith.constant 0 : i32
      %add3A_7 = arith.addi %mul3A_5, %add3A : i32
      %get3A = arith.constant 0 : index
      %get3A_8 = arith.index_cast %add3A_7 : i32 to index
      %get3A_9 = arith.constant 0 : index
      %get3A_10 = arith.constant 0 : index
      %get3A_11 = vector.load %arg1[%get3A, %get3A_8, %get3A_9, %get3A_10] : memref<1x58x58x64xf32, #tpu.memory_space<vmem>>, vector<1x14x56x64xf32>
      %get3A_12 = vector.shape_cast %get3A_11 : vector<1x14x56x64xf32> to vector<14x56x64xf32>
      %reshape3A = vector.shape_cast %get3A_12 : vector<14x56x64xf32> to vector<784x64xf32>
      %convert_element_type3A = arith.truncf %reshape3A : vector<784x64xf32> to vector<784x64xbf16>
      %get3A_13 = arith.constant 0 : index
      %get3A_14 = arith.constant 0 : index
      %get3A_15 = arith.constant 0 : index
      %get3A_16 = vector.load %arg2[%get3A_13, %get3A_14, %get3A_15] : memref<9x64x96xbf16, #tpu.memory_space<vmem>>, vector<1x64x96xbf16>
      %get3A_17 = vector.shape_cast %get3A_16 : vector<1x64x96xbf16> to vector<64x96xbf16>
      %dot_general3A = arith.constant dense<0.000000e+00> : vector<784x96xf32>
      %dot_general3A_18 = tpu.matmul %convert_element_type3A, %get3A_17, %dot_general3A {dimension_numbers = #tpu.dot_dimension_numbers<[1], [0], [0], [1], [0, 0, 1, 1], [], []>, transpose_lhs_hint = false} : vector<784x64xbf16>, vector<64x96xbf16>, vector<784x96xf32> -> vector<784x96xf32>
      %add3A_19 = arith.addf %broadcast_in_dim3A_6, %dot_general3A_18 : vector<784x96xf32>
      %add3A_20 = arith.constant 0 : i32
      %add3A_21 = arith.addi %mul3A_5, %add3A_20 : i32
      %get3A_22 = arith.constant 0 : index
      %get3A_23 = arith.index_cast %add3A_21 : i32 to index
      %get3A_24 = arith.constant 1 : index
      %get3A_25 = arith.constant 0 : index
      %get3A_26 = vector.load %arg1[%get3A_22, %get3A_23, %get3A_24, %get3A_25] : memref<1x58x58x64xf32, #tpu.memory_space<vmem>>, vector<1x14x56x64xf32>
      %get3A_27 = vector.shape_cast %get3A_26 : vector<1x14x56x64xf32> to vector<14x56x64xf32>
      %reshape3A_28 = vector.shape_cast %get3A_27 : vector<14x56x64xf32> to vector<784x64xf32>
      %convert_element_type3A_29 = arith.truncf %reshape3A_28 : vector<784x64xf32> to vector<784x64xbf16>
      %get3A_30 = arith.constant 1 : index
      %get3A_31 = arith.constant 0 : index
      %get3A_32 = arith.constant 0 : index
      %get3A_33 = vector.load %arg2[%get3A_30, %get3A_31, %get3A_32] : memref<9x64x96xbf16, #tpu.memory_space<vmem>>, vector<1x64x96xbf16>
      %get3A_34 = vector.shape_cast %get3A_33 : vector<1x64x96xbf16> to vector<64x96xbf16>
      %dot_general3A_35 = arith.constant dense<0.000000e+00> : vector<784x96xf32>
      %dot_general3A_36 = tpu.matmul %convert_element_type3A_29, %get3A_34, %dot_general3A_35 {dimension_numbers = #tpu.dot_dimension_numbers<[1], [0], [0], [1], [0, 0, 1, 1], [], []>, transpose_lhs_hint = false} : vector<784x64xbf16>, vector<64x96xbf16>, vector<784x96xf32> -> vector<784x96xf32>
      %add3A_37 = arith.addf %add3A_19, %dot_general3A_36 : vector<784x96xf32>
      %add3A_38 = arith.constant 0 : i32
      %add3A_39 = arith.addi %mul3A_5, %add3A_38 : i32
      %get3A_40 = arith.constant 0 : index
      %get3A_41 = arith.index_cast %add3A_39 : i32 to index
      %get3A_42 = arith.constant 2 : index
      %get3A_43 = arith.constant 0 : index
      %get3A_44 = vector.load %arg1[%get3A_40, %get3A_41, %get3A_42, %get3A_43] : memref<1x58x58x64xf32, #tpu.memory_space<vmem>>, vector<1x14x56x64xf32>
      %get3A_45 = vector.shape_cast %get3A_44 : vector<1x14x56x64xf32> to vector<14x56x64xf32>
      %reshape3A_46 = vector.shape_cast %get3A_45 : vector<14x56x64xf32> to vector<784x64xf32>
      %convert_element_type3A_47 = arith.truncf %reshape3A_46 : vector<784x64xf32> to vector<784x64xbf16>
      %get3A_48 = arith.constant 2 : index
      %get3A_49 = arith.constant 0 : index
      %get3A_50 = arith.constant 0 : index
      %get3A_51 = vector.load %arg2[%get3A_48, %get3A_49, %get3A_50] : memref<9x64x96xbf16, #tpu.memory_space<vmem>>, vector<1x64x96xbf16>
      %get3A_52 = vector.shape_cast %get3A_51 : vector<1x64x96xbf16> to vector<64x96xbf16>
      %dot_general3A_53 = arith.constant dense<0.000000e+00> : vector<784x96xf32>
      %dot_general3A_54 = tpu.matmul %convert_element_type3A_47, %get3A_52, %dot_general3A_53 {dimension_numbers = #tpu.dot_dimension_numbers<[1], [0], [0], [1], [0, 0, 1, 1], [], []>, transpose_lhs_hint = false} : vector<784x64xbf16>, vector<64x96xbf16>, vector<784x96xf32> -> vector<784x96xf32>
      %add3A_55 = arith.addf %add3A_37, %dot_general3A_54 : vector<784x96xf32>
      %add3A_56 = arith.constant 1 : i32
      %add3A_57 = arith.addi %mul3A_5, %add3A_56 : i32
      %get3A_58 = arith.constant 0 : index
      %get3A_59 = arith.index_cast %add3A_57 : i32 to index
      %get3A_60 = arith.constant 0 : index
      %get3A_61 = arith.constant 0 : index
      %get3A_62 = vector.load %arg1[%get3A_58, %get3A_59, %get3A_60, %get3A_61] : memref<1x58x58x64xf32, #tpu.memory_space<vmem>>, vector<1x14x56x64xf32>
      %get3A_63 = vector.shape_cast %get3A_62 : vector<1x14x56x64xf32> to vector<14x56x64xf32>
      %reshape3A_64 = vector.shape_cast %get3A_63 : vector<14x56x64xf32> to vector<784x64xf32>
      %convert_element_type3A_65 = arith.truncf %reshape3A_64 : vector<784x64xf32> to vector<784x64xbf16>
      %get3A_66 = arith.constant 3 : index
      %get3A_67 = arith.constant 0 : index
      %get3A_68 = arith.constant 0 : index
      %get3A_69 = vector.load %arg2[%get3A_66, %get3A_67, %get3A_68] : memref<9x64x96xbf16, #tpu.memory_space<vmem>>, vector<1x64x96xbf16>
      %get3A_70 = vector.shape_cast %get3A_69 : vector<1x64x96xbf16> to vector<64x96xbf16>
      %dot_general3A_71 = arith.constant dense<0.000000e+00> : vector<784x96xf32>
      %dot_general3A_72 = tpu.matmul %convert_element_type3A_65, %get3A_70, %dot_general3A_71 {dimension_numbers = #tpu.dot_dimension_numbers<[1], [0], [0], [1], [0, 0, 1, 1], [], []>, transpose_lhs_hint = false} : vector<784x64xbf16>, vector<64x96xbf16>, vector<784x96xf32> -> vector<784x96xf32>
      %add3A_73 = arith.addf %add3A_55, %dot_general3A_72 : vector<784x96xf32>
      %add3A_74 = arith.constant 1 : i32
      %add3A_75 = arith.addi %mul3A_5, %add3A_74 : i32
      %get3A_76 = arith.constant 0 : index
      %get3A_77 = arith.index_cast %add3A_75 : i32 to index
      %get3A_78 = arith.constant 1 : index
      %get3A_79 = arith.constant 0 : index
      %get3A_80 = vector.load %arg1[%get3A_76, %get3A_77, %get3A_78, %get3A_79] : memref<1x58x58x64xf32, #tpu.memory_space<vmem>>, vector<1x14x56x64xf32>
      %get3A_81 = vector.shape_cast %get3A_80 : vector<1x14x56x64xf32> to vector<14x56x64xf32>
      %reshape3A_82 = vector.shape_cast %get3A_81 : vector<14x56x64xf32> to vector<784x64xf32>
      %convert_element_type3A_83 = arith.truncf %reshape3A_82 : vector<784x64xf32> to vector<784x64xbf16>
      %get3A_84 = arith.constant 4 : index
      %get3A_85 = arith.constant 0 : index
      %get3A_86 = arith.constant 0 : index
      %get3A_87 = vector.load %arg2[%get3A_84, %get3A_85, %get3A_86] : memref<9x64x96xbf16, #tpu.memory_space<vmem>>, vector<1x64x96xbf16>
      %get3A_88 = vector.shape_cast %get3A_87 : vector<1x64x96xbf16> to vector<64x96xbf16>
      %dot_general3A_89 = arith.constant dense<0.000000e+00> : vector<784x96xf32>
      %dot_general3A_90 = tpu.matmul %convert_element_type3A_83, %get3A_88, %dot_general3A_89 {dimension_numbers = #tpu.dot_dimension_numbers<[1], [0], [0], [1], [0, 0, 1, 1], [], []>, transpose_lhs_hint = false} : vector<784x64xbf16>, vector<64x96xbf16>, vector<784x96xf32> -> vector<784x96xf32>
      %add3A_91 = arith.addf %add3A_73, %dot_general3A_90 : vector<784x96xf32>
      %add3A_92 = arith.constant 1 : i32
      %add3A_93 = arith.addi %mul3A_5, %add3A_92 : i32
      %get3A_94 = arith.constant 0 : index
      %get3A_95 = arith.index_cast %add3A_93 : i32 to index
      %get3A_96 = arith.constant 2 : index
      %get3A_97 = arith.constant 0 : index
      %get3A_98 = vector.load %arg1[%get3A_94, %get3A_95, %get3A_96, %get3A_97] : memref<1x58x58x64xf32, #tpu.memory_space<vmem>>, vector<1x14x56x64xf32>
      %get3A_99 = vector.shape_cast %get3A_98 : vector<1x14x56x64xf32> to vector<14x56x64xf32>
      %reshape3A_100 = vector.shape_cast %get3A_99 : vector<14x56x64xf32> to vector<784x64xf32>
      %convert_element_type3A_101 = arith.truncf %reshape3A_100 : vector<784x64xf32> to vector<784x64xbf16>
      %get3A_102 = arith.constant 5 : index
      %get3A_103 = arith.constant 0 : index
      %get3A_104 = arith.constant 0 : index
      %get3A_105 = vector.load %arg2[%get3A_102, %get3A_103, %get3A_104] : memref<9x64x96xbf16, #tpu.memory_space<vmem>>, vector<1x64x96xbf16>
      %get3A_106 = vector.shape_cast %get3A_105 : vector<1x64x96xbf16> to vector<64x96xbf16>
      %dot_general3A_107 = arith.constant dense<0.000000e+00> : vector<784x96xf32>
      %dot_general3A_108 = tpu.matmul %convert_element_type3A_101, %get3A_106, %dot_general3A_107 {dimension_numbers = #tpu.dot_dimension_numbers<[1], [0], [0], [1], [0, 0, 1, 1], [], []>, transpose_lhs_hint = false} : vector<784x64xbf16>, vector<64x96xbf16>, vector<784x96xf32> -> vector<784x96xf32>
      %add3A_109 = arith.addf %add3A_91, %dot_general3A_108 : vector<784x96xf32>
      %add3A_110 = arith.constant 2 : i32
      %add3A_111 = arith.addi %mul3A_5, %add3A_110 : i32
      %get3A_112 = arith.constant 0 : index
      %get3A_113 = arith.index_cast %add3A_111 : i32 to index
      %get3A_114 = arith.constant 0 : index
      %get3A_115 = arith.constant 0 : index
      %get3A_116 = vector.load %arg1[%get3A_112, %get3A_113, %get3A_114, %get3A_115] : memref<1x58x58x64xf32, #tpu.memory_space<vmem>>, vector<1x14x56x64xf32>
      %get3A_117 = vector.shape_cast %get3A_116 : vector<1x14x56x64xf32> to vector<14x56x64xf32>
      %reshape3A_118 = vector.shape_cast %get3A_117 : vector<14x56x64xf32> to vector<784x64xf32>
      %convert_element_type3A_119 = arith.truncf %reshape3A_118 : vector<784x64xf32> to vector<784x64xbf16>
      %get3A_120 = arith.constant 6 : index
      %get3A_121 = arith.constant 0 : index
      %get3A_122 = arith.constant 0 : index
      %get3A_123 = vector.load %arg2[%get3A_120, %get3A_121, %get3A_122] : memref<9x64x96xbf16, #tpu.memory_space<vmem>>, vector<1x64x96xbf16>
      %get3A_124 = vector.shape_cast %get3A_123 : vector<1x64x96xbf16> to vector<64x96xbf16>
      %dot_general3A_125 = arith.constant dense<0.000000e+00> : vector<784x96xf32>
      %dot_general3A_126 = tpu.matmul %convert_element_type3A_119, %get3A_124, %dot_general3A_125 {dimension_numbers = #tpu.dot_dimension_numbers<[1], [0], [0], [1], [0, 0, 1, 1], [], []>, transpose_lhs_hint = false} : vector<784x64xbf16>, vector<64x96xbf16>, vector<784x96xf32> -> vector<784x96xf32>
      %add3A_127 = arith.addf %add3A_109, %dot_general3A_126 : vector<784x96xf32>
      %add3A_128 = arith.constant 2 : i32
      %add3A_129 = arith.addi %mul3A_5, %add3A_128 : i32
      %get3A_130 = arith.constant 0 : index
      %get3A_131 = arith.index_cast %add3A_129 : i32 to index
      %get3A_132 = arith.constant 1 : index
      %get3A_133 = arith.constant 0 : index
      %get3A_134 = vector.load %arg1[%get3A_130, %get3A_131, %get3A_132, %get3A_133] : memref<1x58x58x64xf32, #tpu.memory_space<vmem>>, vector<1x14x56x64xf32>
      %get3A_135 = vector.shape_cast %get3A_134 : vector<1x14x56x64xf32> to vector<14x56x64xf32>
      %reshape3A_136 = vector.shape_cast %get3A_135 : vector<14x56x64xf32> to vector<784x64xf32>
      %convert_element_type3A_137 = arith.truncf %reshape3A_136 : vector<784x64xf32> to vector<784x64xbf16>
      %get3A_138 = arith.constant 7 : index
      %get3A_139 = arith.constant 0 : index
      %get3A_140 = arith.constant 0 : index
      %get3A_141 = vector.load %arg2[%get3A_138, %get3A_139, %get3A_140] : memref<9x64x96xbf16, #tpu.memory_space<vmem>>, vector<1x64x96xbf16>
      %get3A_142 = vector.shape_cast %get3A_141 : vector<1x64x96xbf16> to vector<64x96xbf16>
      %dot_general3A_143 = arith.constant dense<0.000000e+00> : vector<784x96xf32>
      %dot_general3A_144 = tpu.matmul %convert_element_type3A_137, %get3A_142, %dot_general3A_143 {dimension_numbers = #tpu.dot_dimension_numbers<[1], [0], [0], [1], [0, 0, 1, 1], [], []>, transpose_lhs_hint = false} : vector<784x64xbf16>, vector<64x96xbf16>, vector<784x96xf32> -> vector<784x96xf32>
      %add3A_145 = arith.addf %add3A_127, %dot_general3A_144 : vector<784x96xf32>
      %add3A_146 = arith.constant 2 : i32
      %add3A_147 = arith.addi %mul3A_5, %add3A_146 : i32
      %get3A_148 = arith.constant 0 : index
      %get3A_149 = arith.index_cast %add3A_147 : i32 to index
      %get3A_150 = arith.constant 2 : index
      %get3A_151 = arith.constant 0 : index
      %get3A_152 = vector.load %arg1[%get3A_148, %get3A_149, %get3A_150, %get3A_151] : memref<1x58x58x64xf32, #tpu.memory_space<vmem>>, vector<1x14x56x64xf32>
      %get3A_153 = vector.shape_cast %get3A_152 : vector<1x14x56x64xf32> to vector<14x56x64xf32>
      %reshape3A_154 = vector.shape_cast %get3A_153 : vector<14x56x64xf32> to vector<784x64xf32>
      %convert_element_type3A_155 = arith.truncf %reshape3A_154 : vector<784x64xf32> to vector<784x64xbf16>
      %get3A_156 = arith.constant 8 : index
      %get3A_157 = arith.constant 0 : index
      %get3A_158 = arith.constant 0 : index
      %get3A_159 = vector.load %arg2[%get3A_156, %get3A_157, %get3A_158] : memref<9x64x96xbf16, #tpu.memory_space<vmem>>, vector<1x64x96xbf16>
      %get3A_160 = vector.shape_cast %get3A_159 : vector<1x64x96xbf16> to vector<64x96xbf16>
      %dot_general3A_161 = arith.constant dense<0.000000e+00> : vector<784x96xf32>
      %dot_general3A_162 = tpu.matmul %convert_element_type3A_155, %get3A_160, %dot_general3A_161 {dimension_numbers = #tpu.dot_dimension_numbers<[1], [0], [0], [1], [0, 0, 1, 1], [], []>, transpose_lhs_hint = false} : vector<784x64xbf16>, vector<64x96xbf16>, vector<784x96xf32> -> vector<784x96xf32>
      %add3A_163 = arith.addf %add3A_145, %dot_general3A_162 : vector<784x96xf32>
      %get3A_164 = arith.constant 0 : index
      %get3A_165 = arith.constant 0 : index
      %get3A_166 = vector.load %arg3[%get3A_164, %get3A_165] : memref<1x96xf32, #tpu.memory_space<vmem>>, vector<1x96xf32>
      %add3A_167 = vector.broadcast %get3A_166 : vector<1x96xf32> to vector<784x96xf32>
      %add3A_168 = arith.addf %add3A_163, %add3A_167 : vector<784x96xf32>
      %max3A = arith.constant 0.000000e+00 : f32
      %max3A_169 = vector.broadcast %max3A : f32 to vector<784x96xf32>
      %max3A_170 = arith.maximumf %add3A_168, %max3A_169 : vector<784x96xf32>
      %reshape3A_171 = vector.shape_cast %max3A_170 : vector<784x96xf32> to vector<14x56x96xf32>
      %swap3A = arith.constant 0 : index
      %swap3A_172 = arith.index_cast %mul3A_5 : i32 to index
      %swap3A_173 = arith.constant 0 : index
      %swap3A_174 = arith.constant 0 : index
      %swap3A_175 = vector.load %arg4[%swap3A, %swap3A_172, %swap3A_173, %swap3A_174] : memref<1x56x56x96xf32, #tpu.memory_space<vmem>>, vector<1x14x56x96xf32>
      %swap3A_176 = vector.shape_cast %swap3A_175 : vector<1x14x56x96xf32> to vector<14x56x96xf32>
      %swap3A_177 = vector.shape_cast %reshape3A_171 : vector<14x56x96xf32> to vector<1x14x56x96xf32>
      tpu.vector_store %arg4[%swap3A, %swap3A_172, %swap3A_173, %swap3A_174], %swap3A_177 {strides = array<i32>} : memref<1x56x56x96xf32, #tpu.memory_space<vmem>>, vector<1x14x56x96xf32>,
    }
    %scan3A_3 = arith.constant 4 : i32
    return
  }
  func.func @transform_0(%arg0: i32) -> (i32, i32, i32, i32) {
    %c0_i32 = arith.constant 0 : i32
    %c0_i32_0 = arith.constant 0 : i32
    %c0_i32_1 = arith.constant 0 : i32
    %c0_i32_2 = arith.constant 0 : i32
    return %arg0, %c0_i32, %c0_i32_0, %c0_i32_1 : i32, i32, i32, i32
  }
  func.func @transform_1(%arg0: i32) -> (i32, i32, i32) {
    %c0_i32 = arith.constant 0 : i32
    %c0_i32_0 = arith.constant 0 : i32
    %c0_i32_1 = arith.constant 0 : i32
    %c0_i32_2 = arith.constant 0 : i32
    return %c0_i32, %c0_i32_0, %c0_i32_1 : i32, i32, i32
  }
  func.func @transform_2(%arg0: i32) -> (i32, i32) {
    %c0_i32 = arith.constant 0 : i32
    %c0_i32_0 = arith.constant 0 : i32
    %c0_i32_1 = arith.constant 0 : i32
    return %c0_i32, %c0_i32_0 : i32, i32
  }
  func.func @transform_3(%arg0: i32) -> (i32, i32, i32, i32) {
    %c0_i32 = arith.constant 0 : i32
    %c0_i32_0 = arith.constant 0 : i32
    %c0_i32_1 = arith.constant 0 : i32
    %c0_i32_2 = arith.constant 0 : i32
    return %arg0, %c0_i32, %c0_i32_0, %c0_i32_1 : i32, i32, i32, i32
  }
}

module attributes {stable_mosaic.version = 14 : i64} {
  func.func @_conv_multi_body(%arg0: i32, %arg1: memref<1x58x58x96xf32, #tpu.memory_space<vmem>>, %arg2: memref<4x4x96x96xbf16, #tpu.memory_space<vmem>>, %arg3: memref<1x96xf32, #tpu.memory_space<vmem>>, %arg4: memref<1x56x56x384xf32, #tpu.memory_space<vmem>>) attributes {dimension_semantics = [#tpu.dimension_semantics<arbitrary>], iteration_bounds = array<i64: 8>, scalar_prefetch = 0 : i64, scratch_operands = 0 : i64, tpu.core_type = #tpu.core_type<tc>, window_params = [{transform_indices = @transform_0, window_bounds = array<i64: 1, 58, 58, 96>}, {pipeline_mode = #tpu.pipeline_mode<synchronous>, transform_indices = @transform_1, window_bounds = array<i64: 4, 4, 96, 96>}, {pipeline_mode = #tpu.pipeline_mode<synchronous>, transform_indices = @transform_2, window_bounds = array<i64: 1, 96>}, {transform_indices = @transform_3, window_bounds = array<i64: 1, 56, 56, 384>}]} {
    %scan3A = arith.constant 0 : i32
    %scan3A_0 = arith.constant 4 : i32
    %scan3A_1 = arith.addi %scan3A, %scan3A_0 : i32
    %scan3A_2 = arith.constant 1 : i32
    scf.for %scan3A_4 = %scan3A to %scan3A_1 step %scan3A_2  : i32 {
      %mul3A = arith.constant 14 : i32
      %mul3A_5 = arith.muli %scan3A_4, %mul3A : i32
      %broadcast_in_dim3A = arith.constant 0.000000e+00 : f32
      %broadcast_in_dim3A_6 = vector.broadcast %broadcast_in_dim3A : f32 to vector<784x96xf32>
      %add3A = arith.constant 0 : i32
      %add3A_7 = arith.addi %mul3A_5, %add3A : i32
      %get3A = arith.constant 0 : index
      %get3A_8 = arith.index_cast %add3A_7 : i32 to index
      %get3A_9 = arith.constant 0 : index
      %get3A_10 = arith.constant 0 : index
      %get3A_11 = vector.load %arg1[%get3A, %get3A_8, %get3A_9, %get3A_10] : memref<1x58x58x96xf32, #tpu.memory_space<vmem>>, vector<1x14x56x96xf32>
      %get3A_12 = vector.shape_cast %get3A_11 : vector<1x14x56x96xf32> to vector<14x56x96xf32>
      %reshape3A = vector.shape_cast %get3A_12 : vector<14x56x96xf32> to vector<784x96xf32>
      %convert_element_type3A = arith.truncf %reshape3A : vector<784x96xf32> to vector<784x96xbf16>
      %get3A_13 = arith.constant 0 : index
      %get3A_14 = arith.constant 0 : index
      %get3A_15 = arith.constant 0 : index
      %get3A_16 = arith.constant 0 : index
      %get3A_17 = vector.load %arg2[%get3A_13, %get3A_14, %get3A_15, %get3A_16] : memref<4x4x96x96xbf16, #tpu.memory_space<vmem>>, vector<1x1x96x96xbf16>
      %get3A_18 = vector.shape_cast %get3A_17 : vector<1x1x96x96xbf16> to vector<96x96xbf16>
      %dot_general3A = arith.constant dense<0.000000e+00> : vector<784x96xf32>
      %dot_general3A_19 = tpu.matmul %convert_element_type3A, %get3A_18, %dot_general3A {dimension_numbers = #tpu.dot_dimension_numbers<[1], [0], [0], [1], [0, 0, 1, 1], [], []>, transpose_lhs_hint = false} : vector<784x96xbf16>, vector<96x96xbf16>, vector<784x96xf32> -> vector<784x96xf32>
      %add3A_20 = arith.addf %broadcast_in_dim3A_6, %dot_general3A_19 : vector<784x96xf32>
      %add3A_21 = arith.constant 0 : i32
      %add3A_22 = arith.addi %mul3A_5, %add3A_21 : i32
      %get3A_23 = arith.constant 0 : index
      %get3A_24 = arith.index_cast %add3A_22 : i32 to index
      %get3A_25 = arith.constant 1 : index
      %get3A_26 = arith.constant 0 : index
      %get3A_27 = vector.load %arg1[%get3A_23, %get3A_24, %get3A_25, %get3A_26] : memref<1x58x58x96xf32, #tpu.memory_space<vmem>>, vector<1x14x56x96xf32>
      %get3A_28 = vector.shape_cast %get3A_27 : vector<1x14x56x96xf32> to vector<14x56x96xf32>
      %reshape3A_29 = vector.shape_cast %get3A_28 : vector<14x56x96xf32> to vector<784x96xf32>
      %convert_element_type3A_30 = arith.truncf %reshape3A_29 : vector<784x96xf32> to vector<784x96xbf16>
      %get3A_31 = arith.constant 0 : index
      %get3A_32 = arith.constant 1 : index
      %get3A_33 = arith.constant 0 : index
      %get3A_34 = arith.constant 0 : index
      %get3A_35 = vector.load %arg2[%get3A_31, %get3A_32, %get3A_33, %get3A_34] : memref<4x4x96x96xbf16, #tpu.memory_space<vmem>>, vector<1x1x96x96xbf16>
      %get3A_36 = vector.shape_cast %get3A_35 : vector<1x1x96x96xbf16> to vector<96x96xbf16>
      %dot_general3A_37 = arith.constant dense<0.000000e+00> : vector<784x96xf32>
      %dot_general3A_38 = tpu.matmul %convert_element_type3A_30, %get3A_36, %dot_general3A_37 {dimension_numbers = #tpu.dot_dimension_numbers<[1], [0], [0], [1], [0, 0, 1, 1], [], []>, transpose_lhs_hint = false} : vector<784x96xbf16>, vector<96x96xbf16>, vector<784x96xf32> -> vector<784x96xf32>
      %add3A_39 = arith.addf %add3A_20, %dot_general3A_38 : vector<784x96xf32>
      %add3A_40 = arith.constant 1 : i32
      %add3A_41 = arith.addi %mul3A_5, %add3A_40 : i32
      %get3A_42 = arith.constant 0 : index
      %get3A_43 = arith.index_cast %add3A_41 : i32 to index
      %get3A_44 = arith.constant 0 : index
      %get3A_45 = arith.constant 0 : index
      %get3A_46 = vector.load %arg1[%get3A_42, %get3A_43, %get3A_44, %get3A_45] : memref<1x58x58x96xf32, #tpu.memory_space<vmem>>, vector<1x14x56x96xf32>
      %get3A_47 = vector.shape_cast %get3A_46 : vector<1x14x56x96xf32> to vector<14x56x96xf32>
      %reshape3A_48 = vector.shape_cast %get3A_47 : vector<14x56x96xf32> to vector<784x96xf32>
      %convert_element_type3A_49 = arith.truncf %reshape3A_48 : vector<784x96xf32> to vector<784x96xbf16>
      %get3A_50 = arith.constant 0 : index
      %get3A_51 = arith.constant 2 : index
      %get3A_52 = arith.constant 0 : index
      %get3A_53 = arith.constant 0 : index
      %get3A_54 = vector.load %arg2[%get3A_50, %get3A_51, %get3A_52, %get3A_53] : memref<4x4x96x96xbf16, #tpu.memory_space<vmem>>, vector<1x1x96x96xbf16>
      %get3A_55 = vector.shape_cast %get3A_54 : vector<1x1x96x96xbf16> to vector<96x96xbf16>
      %dot_general3A_56 = arith.constant dense<0.000000e+00> : vector<784x96xf32>
      %dot_general3A_57 = tpu.matmul %convert_element_type3A_49, %get3A_55, %dot_general3A_56 {dimension_numbers = #tpu.dot_dimension_numbers<[1], [0], [0], [1], [0, 0, 1, 1], [], []>, transpose_lhs_hint = false} : vector<784x96xbf16>, vector<96x96xbf16>, vector<784x96xf32> -> vector<784x96xf32>
      %add3A_58 = arith.addf %add3A_39, %dot_general3A_57 : vector<784x96xf32>
      %add3A_59 = arith.constant 1 : i32
      %add3A_60 = arith.addi %mul3A_5, %add3A_59 : i32
      %get3A_61 = arith.constant 0 : index
      %get3A_62 = arith.index_cast %add3A_60 : i32 to index
      %get3A_63 = arith.constant 1 : index
      %get3A_64 = arith.constant 0 : index
      %get3A_65 = vector.load %arg1[%get3A_61, %get3A_62, %get3A_63, %get3A_64] : memref<1x58x58x96xf32, #tpu.memory_space<vmem>>, vector<1x14x56x96xf32>
      %get3A_66 = vector.shape_cast %get3A_65 : vector<1x14x56x96xf32> to vector<14x56x96xf32>
      %reshape3A_67 = vector.shape_cast %get3A_66 : vector<14x56x96xf32> to vector<784x96xf32>
      %convert_element_type3A_68 = arith.truncf %reshape3A_67 : vector<784x96xf32> to vector<784x96xbf16>
      %get3A_69 = arith.constant 0 : index
      %get3A_70 = arith.constant 3 : index
      %get3A_71 = arith.constant 0 : index
      %get3A_72 = arith.constant 0 : index
      %get3A_73 = vector.load %arg2[%get3A_69, %get3A_70, %get3A_71, %get3A_72] : memref<4x4x96x96xbf16, #tpu.memory_space<vmem>>, vector<1x1x96x96xbf16>
      %get3A_74 = vector.shape_cast %get3A_73 : vector<1x1x96x96xbf16> to vector<96x96xbf16>
      %dot_general3A_75 = arith.constant dense<0.000000e+00> : vector<784x96xf32>
      %dot_general3A_76 = tpu.matmul %convert_element_type3A_68, %get3A_74, %dot_general3A_75 {dimension_numbers = #tpu.dot_dimension_numbers<[1], [0], [0], [1], [0, 0, 1, 1], [], []>, transpose_lhs_hint = false} : vector<784x96xbf16>, vector<96x96xbf16>, vector<784x96xf32> -> vector<784x96xf32>
      %add3A_77 = arith.addf %add3A_58, %dot_general3A_76 : vector<784x96xf32>
      %get3A_78 = arith.constant 0 : index
      %get3A_79 = arith.constant 0 : index
      %get3A_80 = vector.load %arg3[%get3A_78, %get3A_79] : memref<1x96xf32, #tpu.memory_space<vmem>>, vector<1x96xf32>
      %add3A_81 = vector.broadcast %get3A_80 : vector<1x96xf32> to vector<784x96xf32>
      %add3A_82 = arith.addf %add3A_77, %add3A_81 : vector<784x96xf32>
      %max3A = arith.constant 0.000000e+00 : f32
      %max3A_83 = vector.broadcast %max3A : f32 to vector<784x96xf32>
      %max3A_84 = arith.maximumf %add3A_82, %max3A_83 : vector<784x96xf32>
      %broadcast_in_dim3A_85 = arith.constant 0.000000e+00 : f32
      %broadcast_in_dim3A_86 = vector.broadcast %broadcast_in_dim3A_85 : f32 to vector<784x96xf32>
      %add3A_87 = arith.constant 0 : i32
      %add3A_88 = arith.addi %mul3A_5, %add3A_87 : i32
      %get3A_89 = arith.constant 0 : index
      %get3A_90 = arith.index_cast %add3A_88 : i32 to index
      %get3A_91 = arith.constant 1 : index
      %get3A_92 = arith.constant 0 : index
      %get3A_93 = vector.load %arg1[%get3A_89, %get3A_90, %get3A_91, %get3A_92] : memref<1x58x58x96xf32, #tpu.memory_space<vmem>>, vector<1x14x56x96xf32>
      %get3A_94 = vector.shape_cast %get3A_93 : vector<1x14x56x96xf32> to vector<14x56x96xf32>
      %reshape3A_95 = vector.shape_cast %get3A_94 : vector<14x56x96xf32> to vector<784x96xf32>
      %convert_element_type3A_96 = arith.truncf %reshape3A_95 : vector<784x96xf32> to vector<784x96xbf16>
      %get3A_97 = arith.constant 1 : index
      %get3A_98 = arith.constant 0 : index
      %get3A_99 = arith.constant 0 : index
      %get3A_100 = arith.constant 0 : index
      %get3A_101 = vector.load %arg2[%get3A_97, %get3A_98, %get3A_99, %get3A_100] : memref<4x4x96x96xbf16, #tpu.memory_space<vmem>>, vector<1x1x96x96xbf16>
      %get3A_102 = vector.shape_cast %get3A_101 : vector<1x1x96x96xbf16> to vector<96x96xbf16>
      %dot_general3A_103 = arith.constant dense<0.000000e+00> : vector<784x96xf32>
      %dot_general3A_104 = tpu.matmul %convert_element_type3A_96, %get3A_102, %dot_general3A_103 {dimension_numbers = #tpu.dot_dimension_numbers<[1], [0], [0], [1], [0, 0, 1, 1], [], []>, transpose_lhs_hint = false} : vector<784x96xbf16>, vector<96x96xbf16>, vector<784x96xf32> -> vector<784x96xf32>
      %add3A_105 = arith.addf %broadcast_in_dim3A_86, %dot_general3A_104 : vector<784x96xf32>
      %add3A_106 = arith.constant 0 : i32
      %add3A_107 = arith.addi %mul3A_5, %add3A_106 : i32
      %get3A_108 = arith.constant 0 : index
      %get3A_109 = arith.index_cast %add3A_107 : i32 to index
      %get3A_110 = arith.constant 2 : index
      %get3A_111 = arith.constant 0 : index
      %get3A_112 = vector.load %arg1[%get3A_108, %get3A_109, %get3A_110, %get3A_111] : memref<1x58x58x96xf32, #tpu.memory_space<vmem>>, vector<1x14x56x96xf32>
      %get3A_113 = vector.shape_cast %get3A_112 : vector<1x14x56x96xf32> to vector<14x56x96xf32>
      %reshape3A_114 = vector.shape_cast %get3A_113 : vector<14x56x96xf32> to vector<784x96xf32>
      %convert_element_type3A_115 = arith.truncf %reshape3A_114 : vector<784x96xf32> to vector<784x96xbf16>
      %get3A_116 = arith.constant 1 : index
      %get3A_117 = arith.constant 1 : index
      %get3A_118 = arith.constant 0 : index
      %get3A_119 = arith.constant 0 : index
      %get3A_120 = vector.load %arg2[%get3A_116, %get3A_117, %get3A_118, %get3A_119] : memref<4x4x96x96xbf16, #tpu.memory_space<vmem>>, vector<1x1x96x96xbf16>
      %get3A_121 = vector.shape_cast %get3A_120 : vector<1x1x96x96xbf16> to vector<96x96xbf16>
      %dot_general3A_122 = arith.constant dense<0.000000e+00> : vector<784x96xf32>
      %dot_general3A_123 = tpu.matmul %convert_element_type3A_115, %get3A_121, %dot_general3A_122 {dimension_numbers = #tpu.dot_dimension_numbers<[1], [0], [0], [1], [0, 0, 1, 1], [], []>, transpose_lhs_hint = false} : vector<784x96xbf16>, vector<96x96xbf16>, vector<784x96xf32> -> vector<784x96xf32>
      %add3A_124 = arith.addf %add3A_105, %dot_general3A_123 : vector<784x96xf32>
      %add3A_125 = arith.constant 1 : i32
      %add3A_126 = arith.addi %mul3A_5, %add3A_125 : i32
      %get3A_127 = arith.constant 0 : index
      %get3A_128 = arith.index_cast %add3A_126 : i32 to index
      %get3A_129 = arith.constant 1 : index
      %get3A_130 = arith.constant 0 : index
      %get3A_131 = vector.load %arg1[%get3A_127, %get3A_128, %get3A_129, %get3A_130] : memref<1x58x58x96xf32, #tpu.memory_space<vmem>>, vector<1x14x56x96xf32>
      %get3A_132 = vector.shape_cast %get3A_131 : vector<1x14x56x96xf32> to vector<14x56x96xf32>
      %reshape3A_133 = vector.shape_cast %get3A_132 : vector<14x56x96xf32> to vector<784x96xf32>
      %convert_element_type3A_134 = arith.truncf %reshape3A_133 : vector<784x96xf32> to vector<784x96xbf16>
      %get3A_135 = arith.constant 1 : index
      %get3A_136 = arith.constant 2 : index
      %get3A_137 = arith.constant 0 : index
      %get3A_138 = arith.constant 0 : index
      %get3A_139 = vector.load %arg2[%get3A_135, %get3A_136, %get3A_137, %get3A_138] : memref<4x4x96x96xbf16, #tpu.memory_space<vmem>>, vector<1x1x96x96xbf16>
      %get3A_140 = vector.shape_cast %get3A_139 : vector<1x1x96x96xbf16> to vector<96x96xbf16>
      %dot_general3A_141 = arith.constant dense<0.000000e+00> : vector<784x96xf32>
      %dot_general3A_142 = tpu.matmul %convert_element_type3A_134, %get3A_140, %dot_general3A_141 {dimension_numbers = #tpu.dot_dimension_numbers<[1], [0], [0], [1], [0, 0, 1, 1], [], []>, transpose_lhs_hint = false} : vector<784x96xbf16>, vector<96x96xbf16>, vector<784x96xf32> -> vector<784x96xf32>
      %add3A_143 = arith.addf %add3A_124, %dot_general3A_142 : vector<784x96xf32>
      %add3A_144 = arith.constant 1 : i32
      %add3A_145 = arith.addi %mul3A_5, %add3A_144 : i32
      %get3A_146 = arith.constant 0 : index
      %get3A_147 = arith.index_cast %add3A_145 : i32 to index
      %get3A_148 = arith.constant 2 : index
      %get3A_149 = arith.constant 0 : index
      %get3A_150 = vector.load %arg1[%get3A_146, %get3A_147, %get3A_148, %get3A_149] : memref<1x58x58x96xf32, #tpu.memory_space<vmem>>, vector<1x14x56x96xf32>
      %get3A_151 = vector.shape_cast %get3A_150 : vector<1x14x56x96xf32> to vector<14x56x96xf32>
      %reshape3A_152 = vector.shape_cast %get3A_151 : vector<14x56x96xf32> to vector<784x96xf32>
      %convert_element_type3A_153 = arith.truncf %reshape3A_152 : vector<784x96xf32> to vector<784x96xbf16>
      %get3A_154 = arith.constant 1 : index
      %get3A_155 = arith.constant 3 : index
      %get3A_156 = arith.constant 0 : index
      %get3A_157 = arith.constant 0 : index
      %get3A_158 = vector.load %arg2[%get3A_154, %get3A_155, %get3A_156, %get3A_157] : memref<4x4x96x96xbf16, #tpu.memory_space<vmem>>, vector<1x1x96x96xbf16>
      %get3A_159 = vector.shape_cast %get3A_158 : vector<1x1x96x96xbf16> to vector<96x96xbf16>
      %dot_general3A_160 = arith.constant dense<0.000000e+00> : vector<784x96xf32>
      %dot_general3A_161 = tpu.matmul %convert_element_type3A_153, %get3A_159, %dot_general3A_160 {dimension_numbers = #tpu.dot_dimension_numbers<[1], [0], [0], [1], [0, 0, 1, 1], [], []>, transpose_lhs_hint = false} : vector<784x96xbf16>, vector<96x96xbf16>, vector<784x96xf32> -> vector<784x96xf32>
      %add3A_162 = arith.addf %add3A_143, %dot_general3A_161 : vector<784x96xf32>
      %get3A_163 = arith.constant 0 : index
      %get3A_164 = arith.constant 0 : index
      %get3A_165 = vector.load %arg3[%get3A_163, %get3A_164] : memref<1x96xf32, #tpu.memory_space<vmem>>, vector<1x96xf32>
      %add3A_166 = vector.broadcast %get3A_165 : vector<1x96xf32> to vector<784x96xf32>
      %add3A_167 = arith.addf %add3A_162, %add3A_166 : vector<784x96xf32>
      %max3A_168 = arith.constant 0.000000e+00 : f32
      %max3A_169 = vector.broadcast %max3A_168 : f32 to vector<784x96xf32>
      %max3A_170 = arith.maximumf %add3A_167, %max3A_169 : vector<784x96xf32>
      %broadcast_in_dim3A_171 = arith.constant 0.000000e+00 : f32
      %broadcast_in_dim3A_172 = vector.broadcast %broadcast_in_dim3A_171 : f32 to vector<784x96xf32>
      %add3A_173 = arith.constant 1 : i32
      %add3A_174 = arith.addi %mul3A_5, %add3A_173 : i32
      %get3A_175 = arith.constant 0 : index
      %get3A_176 = arith.index_cast %add3A_174 : i32 to index
      %get3A_177 = arith.constant 0 : index
      %get3A_178 = arith.constant 0 : index
      %get3A_179 = vector.load %arg1[%get3A_175, %get3A_176, %get3A_177, %get3A_178] : memref<1x58x58x96xf32, #tpu.memory_space<vmem>>, vector<1x14x56x96xf32>
      %get3A_180 = vector.shape_cast %get3A_179 : vector<1x14x56x96xf32> to vector<14x56x96xf32>
      %reshape3A_181 = vector.shape_cast %get3A_180 : vector<14x56x96xf32> to vector<784x96xf32>
      %convert_element_type3A_182 = arith.truncf %reshape3A_181 : vector<784x96xf32> to vector<784x96xbf16>
      %get3A_183 = arith.constant 2 : index
      %get3A_184 = arith.constant 0 : index
      %get3A_185 = arith.constant 0 : index
      %get3A_186 = arith.constant 0 : index
      %get3A_187 = vector.load %arg2[%get3A_183, %get3A_184, %get3A_185, %get3A_186] : memref<4x4x96x96xbf16, #tpu.memory_space<vmem>>, vector<1x1x96x96xbf16>
      %get3A_188 = vector.shape_cast %get3A_187 : vector<1x1x96x96xbf16> to vector<96x96xbf16>
      %dot_general3A_189 = arith.constant dense<0.000000e+00> : vector<784x96xf32>
      %dot_general3A_190 = tpu.matmul %convert_element_type3A_182, %get3A_188, %dot_general3A_189 {dimension_numbers = #tpu.dot_dimension_numbers<[1], [0], [0], [1], [0, 0, 1, 1], [], []>, transpose_lhs_hint = false} : vector<784x96xbf16>, vector<96x96xbf16>, vector<784x96xf32> -> vector<784x96xf32>
      %add3A_191 = arith.addf %broadcast_in_dim3A_172, %dot_general3A_190 : vector<784x96xf32>
      %add3A_192 = arith.constant 1 : i32
      %add3A_193 = arith.addi %mul3A_5, %add3A_192 : i32
      %get3A_194 = arith.constant 0 : index
      %get3A_195 = arith.index_cast %add3A_193 : i32 to index
      %get3A_196 = arith.constant 1 : index
      %get3A_197 = arith.constant 0 : index
      %get3A_198 = vector.load %arg1[%get3A_194, %get3A_195, %get3A_196, %get3A_197] : memref<1x58x58x96xf32, #tpu.memory_space<vmem>>, vector<1x14x56x96xf32>
      %get3A_199 = vector.shape_cast %get3A_198 : vector<1x14x56x96xf32> to vector<14x56x96xf32>
      %reshape3A_200 = vector.shape_cast %get3A_199 : vector<14x56x96xf32> to vector<784x96xf32>
      %convert_element_type3A_201 = arith.truncf %reshape3A_200 : vector<784x96xf32> to vector<784x96xbf16>
      %get3A_202 = arith.constant 2 : index
      %get3A_203 = arith.constant 1 : index
      %get3A_204 = arith.constant 0 : index
      %get3A_205 = arith.constant 0 : index
      %get3A_206 = vector.load %arg2[%get3A_202, %get3A_203, %get3A_204, %get3A_205] : memref<4x4x96x96xbf16, #tpu.memory_space<vmem>>, vector<1x1x96x96xbf16>
      %get3A_207 = vector.shape_cast %get3A_206 : vector<1x1x96x96xbf16> to vector<96x96xbf16>
      %dot_general3A_208 = arith.constant dense<0.000000e+00> : vector<784x96xf32>
      %dot_general3A_209 = tpu.matmul %convert_element_type3A_201, %get3A_207, %dot_general3A_208 {dimension_numbers = #tpu.dot_dimension_numbers<[1], [0], [0], [1], [0, 0, 1, 1], [], []>, transpose_lhs_hint = false} : vector<784x96xbf16>, vector<96x96xbf16>, vector<784x96xf32> -> vector<784x96xf32>
      %add3A_210 = arith.addf %add3A_191, %dot_general3A_209 : vector<784x96xf32>
      %add3A_211 = arith.constant 2 : i32
      %add3A_212 = arith.addi %mul3A_5, %add3A_211 : i32
      %get3A_213 = arith.constant 0 : index
      %get3A_214 = arith.index_cast %add3A_212 : i32 to index
      %get3A_215 = arith.constant 0 : index
      %get3A_216 = arith.constant 0 : index
      %get3A_217 = vector.load %arg1[%get3A_213, %get3A_214, %get3A_215, %get3A_216] : memref<1x58x58x96xf32, #tpu.memory_space<vmem>>, vector<1x14x56x96xf32>
      %get3A_218 = vector.shape_cast %get3A_217 : vector<1x14x56x96xf32> to vector<14x56x96xf32>
      %reshape3A_219 = vector.shape_cast %get3A_218 : vector<14x56x96xf32> to vector<784x96xf32>
      %convert_element_type3A_220 = arith.truncf %reshape3A_219 : vector<784x96xf32> to vector<784x96xbf16>
      %get3A_221 = arith.constant 2 : index
      %get3A_222 = arith.constant 2 : index
      %get3A_223 = arith.constant 0 : index
      %get3A_224 = arith.constant 0 : index
      %get3A_225 = vector.load %arg2[%get3A_221, %get3A_222, %get3A_223, %get3A_224] : memref<4x4x96x96xbf16, #tpu.memory_space<vmem>>, vector<1x1x96x96xbf16>
      %get3A_226 = vector.shape_cast %get3A_225 : vector<1x1x96x96xbf16> to vector<96x96xbf16>
      %dot_general3A_227 = arith.constant dense<0.000000e+00> : vector<784x96xf32>
      %dot_general3A_228 = tpu.matmul %convert_element_type3A_220, %get3A_226, %dot_general3A_227 {dimension_numbers = #tpu.dot_dimension_numbers<[1], [0], [0], [1], [0, 0, 1, 1], [], []>, transpose_lhs_hint = false} : vector<784x96xbf16>, vector<96x96xbf16>, vector<784x96xf32> -> vector<784x96xf32>
      %add3A_229 = arith.addf %add3A_210, %dot_general3A_228 : vector<784x96xf32>
      %add3A_230 = arith.constant 2 : i32
      %add3A_231 = arith.addi %mul3A_5, %add3A_230 : i32
      %get3A_232 = arith.constant 0 : index
      %get3A_233 = arith.index_cast %add3A_231 : i32 to index
      %get3A_234 = arith.constant 1 : index
      %get3A_235 = arith.constant 0 : index
      %get3A_236 = vector.load %arg1[%get3A_232, %get3A_233, %get3A_234, %get3A_235] : memref<1x58x58x96xf32, #tpu.memory_space<vmem>>, vector<1x14x56x96xf32>
      %get3A_237 = vector.shape_cast %get3A_236 : vector<1x14x56x96xf32> to vector<14x56x96xf32>
      %reshape3A_238 = vector.shape_cast %get3A_237 : vector<14x56x96xf32> to vector<784x96xf32>
      %convert_element_type3A_239 = arith.truncf %reshape3A_238 : vector<784x96xf32> to vector<784x96xbf16>
      %get3A_240 = arith.constant 2 : index
      %get3A_241 = arith.constant 3 : index
      %get3A_242 = arith.constant 0 : index
      %get3A_243 = arith.constant 0 : index
      %get3A_244 = vector.load %arg2[%get3A_240, %get3A_241, %get3A_242, %get3A_243] : memref<4x4x96x96xbf16, #tpu.memory_space<vmem>>, vector<1x1x96x96xbf16>
      %get3A_245 = vector.shape_cast %get3A_244 : vector<1x1x96x96xbf16> to vector<96x96xbf16>
      %dot_general3A_246 = arith.constant dense<0.000000e+00> : vector<784x96xf32>
      %dot_general3A_247 = tpu.matmul %convert_element_type3A_239, %get3A_245, %dot_general3A_246 {dimension_numbers = #tpu.dot_dimension_numbers<[1], [0], [0], [1], [0, 0, 1, 1], [], []>, transpose_lhs_hint = false} : vector<784x96xbf16>, vector<96x96xbf16>, vector<784x96xf32> -> vector<784x96xf32>
      %add3A_248 = arith.addf %add3A_229, %dot_general3A_247 : vector<784x96xf32>
      %get3A_249 = arith.constant 0 : index
      %get3A_250 = arith.constant 0 : index
      %get3A_251 = vector.load %arg3[%get3A_249, %get3A_250] : memref<1x96xf32, #tpu.memory_space<vmem>>, vector<1x96xf32>
      %add3A_252 = vector.broadcast %get3A_251 : vector<1x96xf32> to vector<784x96xf32>
      %add3A_253 = arith.addf %add3A_248, %add3A_252 : vector<784x96xf32>
      %max3A_254 = arith.constant 0.000000e+00 : f32
      %max3A_255 = vector.broadcast %max3A_254 : f32 to vector<784x96xf32>
      %max3A_256 = arith.maximumf %add3A_253, %max3A_255 : vector<784x96xf32>
      %broadcast_in_dim3A_257 = arith.constant 0.000000e+00 : f32
      %broadcast_in_dim3A_258 = vector.broadcast %broadcast_in_dim3A_257 : f32 to vector<784x96xf32>
      %add3A_259 = arith.constant 1 : i32
      %add3A_260 = arith.addi %mul3A_5, %add3A_259 : i32
      %get3A_261 = arith.constant 0 : index
      %get3A_262 = arith.index_cast %add3A_260 : i32 to index
      %get3A_263 = arith.constant 1 : index
      %get3A_264 = arith.constant 0 : index
      %get3A_265 = vector.load %arg1[%get3A_261, %get3A_262, %get3A_263, %get3A_264] : memref<1x58x58x96xf32, #tpu.memory_space<vmem>>, vector<1x14x56x96xf32>
      %get3A_266 = vector.shape_cast %get3A_265 : vector<1x14x56x96xf32> to vector<14x56x96xf32>
      %reshape3A_267 = vector.shape_cast %get3A_266 : vector<14x56x96xf32> to vector<784x96xf32>
      %convert_element_type3A_268 = arith.truncf %reshape3A_267 : vector<784x96xf32> to vector<784x96xbf16>
      %get3A_269 = arith.constant 3 : index
      %get3A_270 = arith.constant 0 : index
      %get3A_271 = arith.constant 0 : index
      %get3A_272 = arith.constant 0 : index
      %get3A_273 = vector.load %arg2[%get3A_269, %get3A_270, %get3A_271, %get3A_272] : memref<4x4x96x96xbf16, #tpu.memory_space<vmem>>, vector<1x1x96x96xbf16>
      %get3A_274 = vector.shape_cast %get3A_273 : vector<1x1x96x96xbf16> to vector<96x96xbf16>
      %dot_general3A_275 = arith.constant dense<0.000000e+00> : vector<784x96xf32>
      %dot_general3A_276 = tpu.matmul %convert_element_type3A_268, %get3A_274, %dot_general3A_275 {dimension_numbers = #tpu.dot_dimension_numbers<[1], [0], [0], [1], [0, 0, 1, 1], [], []>, transpose_lhs_hint = false} : vector<784x96xbf16>, vector<96x96xbf16>, vector<784x96xf32> -> vector<784x96xf32>
      %add3A_277 = arith.addf %broadcast_in_dim3A_258, %dot_general3A_276 : vector<784x96xf32>
      %add3A_278 = arith.constant 1 : i32
      %add3A_279 = arith.addi %mul3A_5, %add3A_278 : i32
      %get3A_280 = arith.constant 0 : index
      %get3A_281 = arith.index_cast %add3A_279 : i32 to index
      %get3A_282 = arith.constant 2 : index
      %get3A_283 = arith.constant 0 : index
      %get3A_284 = vector.load %arg1[%get3A_280, %get3A_281, %get3A_282, %get3A_283] : memref<1x58x58x96xf32, #tpu.memory_space<vmem>>, vector<1x14x56x96xf32>
      %get3A_285 = vector.shape_cast %get3A_284 : vector<1x14x56x96xf32> to vector<14x56x96xf32>
      %reshape3A_286 = vector.shape_cast %get3A_285 : vector<14x56x96xf32> to vector<784x96xf32>
      %convert_element_type3A_287 = arith.truncf %reshape3A_286 : vector<784x96xf32> to vector<784x96xbf16>
      %get3A_288 = arith.constant 3 : index
      %get3A_289 = arith.constant 1 : index
      %get3A_290 = arith.constant 0 : index
      %get3A_291 = arith.constant 0 : index
      %get3A_292 = vector.load %arg2[%get3A_288, %get3A_289, %get3A_290, %get3A_291] : memref<4x4x96x96xbf16, #tpu.memory_space<vmem>>, vector<1x1x96x96xbf16>
      %get3A_293 = vector.shape_cast %get3A_292 : vector<1x1x96x96xbf16> to vector<96x96xbf16>
      %dot_general3A_294 = arith.constant dense<0.000000e+00> : vector<784x96xf32>
      %dot_general3A_295 = tpu.matmul %convert_element_type3A_287, %get3A_293, %dot_general3A_294 {dimension_numbers = #tpu.dot_dimension_numbers<[1], [0], [0], [1], [0, 0, 1, 1], [], []>, transpose_lhs_hint = false} : vector<784x96xbf16>, vector<96x96xbf16>, vector<784x96xf32> -> vector<784x96xf32>
      %add3A_296 = arith.addf %add3A_277, %dot_general3A_295 : vector<784x96xf32>
      %add3A_297 = arith.constant 2 : i32
      %add3A_298 = arith.addi %mul3A_5, %add3A_297 : i32
      %get3A_299 = arith.constant 0 : index
      %get3A_300 = arith.index_cast %add3A_298 : i32 to index
      %get3A_301 = arith.constant 1 : index
      %get3A_302 = arith.constant 0 : index
      %get3A_303 = vector.load %arg1[%get3A_299, %get3A_300, %get3A_301, %get3A_302] : memref<1x58x58x96xf32, #tpu.memory_space<vmem>>, vector<1x14x56x96xf32>
      %get3A_304 = vector.shape_cast %get3A_303 : vector<1x14x56x96xf32> to vector<14x56x96xf32>
      %reshape3A_305 = vector.shape_cast %get3A_304 : vector<14x56x96xf32> to vector<784x96xf32>
      %convert_element_type3A_306 = arith.truncf %reshape3A_305 : vector<784x96xf32> to vector<784x96xbf16>
      %get3A_307 = arith.constant 3 : index
      %get3A_308 = arith.constant 2 : index
      %get3A_309 = arith.constant 0 : index
      %get3A_310 = arith.constant 0 : index
      %get3A_311 = vector.load %arg2[%get3A_307, %get3A_308, %get3A_309, %get3A_310] : memref<4x4x96x96xbf16, #tpu.memory_space<vmem>>, vector<1x1x96x96xbf16>
      %get3A_312 = vector.shape_cast %get3A_311 : vector<1x1x96x96xbf16> to vector<96x96xbf16>
      %dot_general3A_313 = arith.constant dense<0.000000e+00> : vector<784x96xf32>
      %dot_general3A_314 = tpu.matmul %convert_element_type3A_306, %get3A_312, %dot_general3A_313 {dimension_numbers = #tpu.dot_dimension_numbers<[1], [0], [0], [1], [0, 0, 1, 1], [], []>, transpose_lhs_hint = false} : vector<784x96xbf16>, vector<96x96xbf16>, vector<784x96xf32> -> vector<784x96xf32>
      %add3A_315 = arith.addf %add3A_296, %dot_general3A_314 : vector<784x96xf32>
      %add3A_316 = arith.constant 2 : i32
      %add3A_317 = arith.addi %mul3A_5, %add3A_316 : i32
      %get3A_318 = arith.constant 0 : index
      %get3A_319 = arith.index_cast %add3A_317 : i32 to index
      %get3A_320 = arith.constant 2 : index
      %get3A_321 = arith.constant 0 : index
      %get3A_322 = vector.load %arg1[%get3A_318, %get3A_319, %get3A_320, %get3A_321] : memref<1x58x58x96xf32, #tpu.memory_space<vmem>>, vector<1x14x56x96xf32>
      %get3A_323 = vector.shape_cast %get3A_322 : vector<1x14x56x96xf32> to vector<14x56x96xf32>
      %reshape3A_324 = vector.shape_cast %get3A_323 : vector<14x56x96xf32> to vector<784x96xf32>
      %convert_element_type3A_325 = arith.truncf %reshape3A_324 : vector<784x96xf32> to vector<784x96xbf16>
      %get3A_326 = arith.constant 3 : index
      %get3A_327 = arith.constant 3 : index
      %get3A_328 = arith.constant 0 : index
      %get3A_329 = arith.constant 0 : index
      %get3A_330 = vector.load %arg2[%get3A_326, %get3A_327, %get3A_328, %get3A_329] : memref<4x4x96x96xbf16, #tpu.memory_space<vmem>>, vector<1x1x96x96xbf16>
      %get3A_331 = vector.shape_cast %get3A_330 : vector<1x1x96x96xbf16> to vector<96x96xbf16>
      %dot_general3A_332 = arith.constant dense<0.000000e+00> : vector<784x96xf32>
      %dot_general3A_333 = tpu.matmul %convert_element_type3A_325, %get3A_331, %dot_general3A_332 {dimension_numbers = #tpu.dot_dimension_numbers<[1], [0], [0], [1], [0, 0, 1, 1], [], []>, transpose_lhs_hint = false} : vector<784x96xbf16>, vector<96x96xbf16>, vector<784x96xf32> -> vector<784x96xf32>
      %add3A_334 = arith.addf %add3A_315, %dot_general3A_333 : vector<784x96xf32>
      %get3A_335 = arith.constant 0 : index
      %get3A_336 = arith.constant 0 : index
      %get3A_337 = vector.load %arg3[%get3A_335, %get3A_336] : memref<1x96xf32, #tpu.memory_space<vmem>>, vector<1x96xf32>
      %add3A_338 = vector.broadcast %get3A_337 : vector<1x96xf32> to vector<784x96xf32>
      %add3A_339 = arith.addf %add3A_334, %add3A_338 : vector<784x96xf32>
      %max3A_340 = arith.constant 0.000000e+00 : f32
      %max3A_341 = vector.broadcast %max3A_340 : f32 to vector<784x96xf32>
      %max3A_342 = arith.maximumf %add3A_339, %max3A_341 : vector<784x96xf32>
      %concatenate3A = tpu.concatenate %max3A_84, %max3A_170, %max3A_256, %max3A_342 in 1 : vector<784x96xf32>, vector<784x96xf32>, vector<784x96xf32>, vector<784x96xf32> -> vector<784x384xf32>
      %reshape3A_343 = vector.shape_cast %concatenate3A : vector<784x384xf32> to vector<14x56x384xf32>
      %swap3A = arith.constant 0 : index
      %swap3A_344 = arith.index_cast %mul3A_5 : i32 to index
      %swap3A_345 = arith.constant 0 : index
      %swap3A_346 = arith.constant 0 : index
      %swap3A_347 = vector.load %arg4[%swap3A, %swap3A_344, %swap3A_345, %swap3A_346] : memref<1x56x56x384xf32, #tpu.memory_space<vmem>>, vector<1x14x56x384xf32>
      %swap3A_348 = vector.shape_cast %swap3A_347 : vector<1x14x56x384xf32> to vector<14x56x384xf32>
      %swap3A_349 = vector.shape_cast %reshape3A_343 : vector<14x56x384xf32> to vector<1x14x56x384xf32>
      tpu.vector_store %arg4[%swap3A, %swap3A_344, %swap3A_345, %swap3A_346], %swap3A_349 {strides = array<i32>} : memref<1x56x56x384xf32, #tpu.memory_space<vmem>>, vector<1x14x56x384xf32>,
    }
    %scan3A_3 = arith.constant 4 : i32
    return
  }
  func.func @transform_0(%arg0: i32) -> (i32, i32, i32, i32) {
    %c0_i32 = arith.constant 0 : i32
    %c0_i32_0 = arith.constant 0 : i32
    %c0_i32_1 = arith.constant 0 : i32
    %c0_i32_2 = arith.constant 0 : i32
    return %arg0, %c0_i32, %c0_i32_0, %c0_i32_1 : i32, i32, i32, i32
  }
  func.func @transform_1(%arg0: i32) -> (i32, i32, i32, i32) {
    %c0_i32 = arith.constant 0 : i32
    %c0_i32_0 = arith.constant 0 : i32
    %c0_i32_1 = arith.constant 0 : i32
    %c0_i32_2 = arith.constant 0 : i32
    %c0_i32_3 = arith.constant 0 : i32
    return %c0_i32, %c0_i32_0, %c0_i32_1, %c0_i32_2 : i32, i32, i32, i32
  }
  func.func @transform_2(%arg0: i32) -> (i32, i32) {
    %c0_i32 = arith.constant 0 : i32
    %c0_i32_0 = arith.constant 0 : i32
    %c0_i32_1 = arith.constant 0 : i32
    return %c0_i32, %c0_i32_0 : i32, i32
  }
  func.func @transform_3(%arg0: i32) -> (i32, i32, i32, i32) {
    %c0_i32 = arith.constant 0 : i32
    %c0_i32_0 = arith.constant 0 : i32
    %c0_i32_1 = arith.constant 0 : i32
    %c0_i32_2 = arith.constant 0 : i32
    return %arg0, %c0_i32, %c0_i32_0, %c0_i32_1 : i32, i32, i32, i32
  }
}

module attributes {stable_mosaic.version = 14 : i64} {
  func.func @_conv_body(%arg0: i32, %arg1: memref<1x114x114x96xf32, #tpu.memory_space<vmem>>, %arg2: memref<9x96x12xbf16, #tpu.memory_space<vmem>>, %arg3: memref<1x12xf32, #tpu.memory_space<vmem>>, %arg4: memref<1x112x112x12xf32, #tpu.memory_space<vmem>>) attributes {dimension_semantics = [#tpu.dimension_semantics<arbitrary>], iteration_bounds = array<i64: 8>, scalar_prefetch = 0 : i64, scratch_operands = 0 : i64, tpu.core_type = #tpu.core_type<tc>, window_params = [{transform_indices = @transform_0, window_bounds = array<i64: 1, 114, 114, 96>}, {pipeline_mode = #tpu.pipeline_mode<synchronous>, transform_indices = @transform_1, window_bounds = array<i64: 9, 96, 12>}, {pipeline_mode = #tpu.pipeline_mode<synchronous>, transform_indices = @transform_2, window_bounds = array<i64: 1, 12>}, {transform_indices = @transform_3, window_bounds = array<i64: 1, 112, 112, 12>}]} {
    %scan3A = arith.constant 0 : i32
    %scan3A_0 = arith.constant 7 : i32
    %scan3A_1 = arith.addi %scan3A, %scan3A_0 : i32
    %scan3A_2 = arith.constant 1 : i32
    scf.for %scan3A_4 = %scan3A to %scan3A_1 step %scan3A_2  : i32 {
      %mul3A = arith.constant 16 : i32
      %mul3A_5 = arith.muli %scan3A_4, %mul3A : i32
      %broadcast_in_dim3A = arith.constant 0.000000e+00 : f32
      %broadcast_in_dim3A_6 = vector.broadcast %broadcast_in_dim3A : f32 to vector<1792x12xf32>
      %add3A = arith.constant 0 : i32
      %add3A_7 = arith.addi %mul3A_5, %add3A : i32
      %get3A = arith.constant 0 : index
      %get3A_8 = arith.index_cast %add3A_7 : i32 to index
      %get3A_9 = arith.constant 0 : index
      %get3A_10 = arith.constant 0 : index
      %get3A_11 = vector.load %arg1[%get3A, %get3A_8, %get3A_9, %get3A_10] : memref<1x114x114x96xf32, #tpu.memory_space<vmem>>, vector<1x16x112x96xf32>
      %get3A_12 = vector.shape_cast %get3A_11 : vector<1x16x112x96xf32> to vector<16x112x96xf32>
      %reshape3A = vector.shape_cast %get3A_12 : vector<16x112x96xf32> to vector<1792x96xf32>
      %convert_element_type3A = arith.truncf %reshape3A : vector<1792x96xf32> to vector<1792x96xbf16>
      %get3A_13 = arith.constant 0 : index
      %get3A_14 = arith.constant 0 : index
      %get3A_15 = arith.constant 0 : index
      %get3A_16 = vector.load %arg2[%get3A_13, %get3A_14, %get3A_15] : memref<9x96x12xbf16, #tpu.memory_space<vmem>>, vector<1x96x12xbf16>
      %get3A_17 = vector.shape_cast %get3A_16 : vector<1x96x12xbf16> to vector<96x12xbf16>
      %dot_general3A = arith.constant dense<0.000000e+00> : vector<1792x12xf32>
      %dot_general3A_18 = tpu.matmul %convert_element_type3A, %get3A_17, %dot_general3A {dimension_numbers = #tpu.dot_dimension_numbers<[1], [0], [0], [1], [0, 0, 1, 1], [], []>, transpose_lhs_hint = false} : vector<1792x96xbf16>, vector<96x12xbf16>, vector<1792x12xf32> -> vector<1792x12xf32>
      %add3A_19 = arith.addf %broadcast_in_dim3A_6, %dot_general3A_18 : vector<1792x12xf32>
      %add3A_20 = arith.constant 0 : i32
      %add3A_21 = arith.addi %mul3A_5, %add3A_20 : i32
      %get3A_22 = arith.constant 0 : index
      %get3A_23 = arith.index_cast %add3A_21 : i32 to index
      %get3A_24 = arith.constant 1 : index
      %get3A_25 = arith.constant 0 : index
      %get3A_26 = vector.load %arg1[%get3A_22, %get3A_23, %get3A_24, %get3A_25] : memref<1x114x114x96xf32, #tpu.memory_space<vmem>>, vector<1x16x112x96xf32>
      %get3A_27 = vector.shape_cast %get3A_26 : vector<1x16x112x96xf32> to vector<16x112x96xf32>
      %reshape3A_28 = vector.shape_cast %get3A_27 : vector<16x112x96xf32> to vector<1792x96xf32>
      %convert_element_type3A_29 = arith.truncf %reshape3A_28 : vector<1792x96xf32> to vector<1792x96xbf16>
      %get3A_30 = arith.constant 1 : index
      %get3A_31 = arith.constant 0 : index
      %get3A_32 = arith.constant 0 : index
      %get3A_33 = vector.load %arg2[%get3A_30, %get3A_31, %get3A_32] : memref<9x96x12xbf16, #tpu.memory_space<vmem>>, vector<1x96x12xbf16>
      %get3A_34 = vector.shape_cast %get3A_33 : vector<1x96x12xbf16> to vector<96x12xbf16>
      %dot_general3A_35 = arith.constant dense<0.000000e+00> : vector<1792x12xf32>
      %dot_general3A_36 = tpu.matmul %convert_element_type3A_29, %get3A_34, %dot_general3A_35 {dimension_numbers = #tpu.dot_dimension_numbers<[1], [0], [0], [1], [0, 0, 1, 1], [], []>, transpose_lhs_hint = false} : vector<1792x96xbf16>, vector<96x12xbf16>, vector<1792x12xf32> -> vector<1792x12xf32>
      %add3A_37 = arith.addf %add3A_19, %dot_general3A_36 : vector<1792x12xf32>
      %add3A_38 = arith.constant 0 : i32
      %add3A_39 = arith.addi %mul3A_5, %add3A_38 : i32
      %get3A_40 = arith.constant 0 : index
      %get3A_41 = arith.index_cast %add3A_39 : i32 to index
      %get3A_42 = arith.constant 2 : index
      %get3A_43 = arith.constant 0 : index
      %get3A_44 = vector.load %arg1[%get3A_40, %get3A_41, %get3A_42, %get3A_43] : memref<1x114x114x96xf32, #tpu.memory_space<vmem>>, vector<1x16x112x96xf32>
      %get3A_45 = vector.shape_cast %get3A_44 : vector<1x16x112x96xf32> to vector<16x112x96xf32>
      %reshape3A_46 = vector.shape_cast %get3A_45 : vector<16x112x96xf32> to vector<1792x96xf32>
      %convert_element_type3A_47 = arith.truncf %reshape3A_46 : vector<1792x96xf32> to vector<1792x96xbf16>
      %get3A_48 = arith.constant 2 : index
      %get3A_49 = arith.constant 0 : index
      %get3A_50 = arith.constant 0 : index
      %get3A_51 = vector.load %arg2[%get3A_48, %get3A_49, %get3A_50] : memref<9x96x12xbf16, #tpu.memory_space<vmem>>, vector<1x96x12xbf16>
      %get3A_52 = vector.shape_cast %get3A_51 : vector<1x96x12xbf16> to vector<96x12xbf16>
      %dot_general3A_53 = arith.constant dense<0.000000e+00> : vector<1792x12xf32>
      %dot_general3A_54 = tpu.matmul %convert_element_type3A_47, %get3A_52, %dot_general3A_53 {dimension_numbers = #tpu.dot_dimension_numbers<[1], [0], [0], [1], [0, 0, 1, 1], [], []>, transpose_lhs_hint = false} : vector<1792x96xbf16>, vector<96x12xbf16>, vector<1792x12xf32> -> vector<1792x12xf32>
      %add3A_55 = arith.addf %add3A_37, %dot_general3A_54 : vector<1792x12xf32>
      %add3A_56 = arith.constant 1 : i32
      %add3A_57 = arith.addi %mul3A_5, %add3A_56 : i32
      %get3A_58 = arith.constant 0 : index
      %get3A_59 = arith.index_cast %add3A_57 : i32 to index
      %get3A_60 = arith.constant 0 : index
      %get3A_61 = arith.constant 0 : index
      %get3A_62 = vector.load %arg1[%get3A_58, %get3A_59, %get3A_60, %get3A_61] : memref<1x114x114x96xf32, #tpu.memory_space<vmem>>, vector<1x16x112x96xf32>
      %get3A_63 = vector.shape_cast %get3A_62 : vector<1x16x112x96xf32> to vector<16x112x96xf32>
      %reshape3A_64 = vector.shape_cast %get3A_63 : vector<16x112x96xf32> to vector<1792x96xf32>
      %convert_element_type3A_65 = arith.truncf %reshape3A_64 : vector<1792x96xf32> to vector<1792x96xbf16>
      %get3A_66 = arith.constant 3 : index
      %get3A_67 = arith.constant 0 : index
      %get3A_68 = arith.constant 0 : index
      %get3A_69 = vector.load %arg2[%get3A_66, %get3A_67, %get3A_68] : memref<9x96x12xbf16, #tpu.memory_space<vmem>>, vector<1x96x12xbf16>
      %get3A_70 = vector.shape_cast %get3A_69 : vector<1x96x12xbf16> to vector<96x12xbf16>
      %dot_general3A_71 = arith.constant dense<0.000000e+00> : vector<1792x12xf32>
      %dot_general3A_72 = tpu.matmul %convert_element_type3A_65, %get3A_70, %dot_general3A_71 {dimension_numbers = #tpu.dot_dimension_numbers<[1], [0], [0], [1], [0, 0, 1, 1], [], []>, transpose_lhs_hint = false} : vector<1792x96xbf16>, vector<96x12xbf16>, vector<1792x12xf32> -> vector<1792x12xf32>
      %add3A_73 = arith.addf %add3A_55, %dot_general3A_72 : vector<1792x12xf32>
      %add3A_74 = arith.constant 1 : i32
      %add3A_75 = arith.addi %mul3A_5, %add3A_74 : i32
      %get3A_76 = arith.constant 0 : index
      %get3A_77 = arith.index_cast %add3A_75 : i32 to index
      %get3A_78 = arith.constant 1 : index
      %get3A_79 = arith.constant 0 : index
      %get3A_80 = vector.load %arg1[%get3A_76, %get3A_77, %get3A_78, %get3A_79] : memref<1x114x114x96xf32, #tpu.memory_space<vmem>>, vector<1x16x112x96xf32>
      %get3A_81 = vector.shape_cast %get3A_80 : vector<1x16x112x96xf32> to vector<16x112x96xf32>
      %reshape3A_82 = vector.shape_cast %get3A_81 : vector<16x112x96xf32> to vector<1792x96xf32>
      %convert_element_type3A_83 = arith.truncf %reshape3A_82 : vector<1792x96xf32> to vector<1792x96xbf16>
      %get3A_84 = arith.constant 4 : index
      %get3A_85 = arith.constant 0 : index
      %get3A_86 = arith.constant 0 : index
      %get3A_87 = vector.load %arg2[%get3A_84, %get3A_85, %get3A_86] : memref<9x96x12xbf16, #tpu.memory_space<vmem>>, vector<1x96x12xbf16>
      %get3A_88 = vector.shape_cast %get3A_87 : vector<1x96x12xbf16> to vector<96x12xbf16>
      %dot_general3A_89 = arith.constant dense<0.000000e+00> : vector<1792x12xf32>
      %dot_general3A_90 = tpu.matmul %convert_element_type3A_83, %get3A_88, %dot_general3A_89 {dimension_numbers = #tpu.dot_dimension_numbers<[1], [0], [0], [1], [0, 0, 1, 1], [], []>, transpose_lhs_hint = false} : vector<1792x96xbf16>, vector<96x12xbf16>, vector<1792x12xf32> -> vector<1792x12xf32>
      %add3A_91 = arith.addf %add3A_73, %dot_general3A_90 : vector<1792x12xf32>
      %add3A_92 = arith.constant 1 : i32
      %add3A_93 = arith.addi %mul3A_5, %add3A_92 : i32
      %get3A_94 = arith.constant 0 : index
      %get3A_95 = arith.index_cast %add3A_93 : i32 to index
      %get3A_96 = arith.constant 2 : index
      %get3A_97 = arith.constant 0 : index
      %get3A_98 = vector.load %arg1[%get3A_94, %get3A_95, %get3A_96, %get3A_97] : memref<1x114x114x96xf32, #tpu.memory_space<vmem>>, vector<1x16x112x96xf32>
      %get3A_99 = vector.shape_cast %get3A_98 : vector<1x16x112x96xf32> to vector<16x112x96xf32>
      %reshape3A_100 = vector.shape_cast %get3A_99 : vector<16x112x96xf32> to vector<1792x96xf32>
      %convert_element_type3A_101 = arith.truncf %reshape3A_100 : vector<1792x96xf32> to vector<1792x96xbf16>
      %get3A_102 = arith.constant 5 : index
      %get3A_103 = arith.constant 0 : index
      %get3A_104 = arith.constant 0 : index
      %get3A_105 = vector.load %arg2[%get3A_102, %get3A_103, %get3A_104] : memref<9x96x12xbf16, #tpu.memory_space<vmem>>, vector<1x96x12xbf16>
      %get3A_106 = vector.shape_cast %get3A_105 : vector<1x96x12xbf16> to vector<96x12xbf16>
      %dot_general3A_107 = arith.constant dense<0.000000e+00> : vector<1792x12xf32>
      %dot_general3A_108 = tpu.matmul %convert_element_type3A_101, %get3A_106, %dot_general3A_107 {dimension_numbers = #tpu.dot_dimension_numbers<[1], [0], [0], [1], [0, 0, 1, 1], [], []>, transpose_lhs_hint = false} : vector<1792x96xbf16>, vector<96x12xbf16>, vector<1792x12xf32> -> vector<1792x12xf32>
      %add3A_109 = arith.addf %add3A_91, %dot_general3A_108 : vector<1792x12xf32>
      %add3A_110 = arith.constant 2 : i32
      %add3A_111 = arith.addi %mul3A_5, %add3A_110 : i32
      %get3A_112 = arith.constant 0 : index
      %get3A_113 = arith.index_cast %add3A_111 : i32 to index
      %get3A_114 = arith.constant 0 : index
      %get3A_115 = arith.constant 0 : index
      %get3A_116 = vector.load %arg1[%get3A_112, %get3A_113, %get3A_114, %get3A_115] : memref<1x114x114x96xf32, #tpu.memory_space<vmem>>, vector<1x16x112x96xf32>
      %get3A_117 = vector.shape_cast %get3A_116 : vector<1x16x112x96xf32> to vector<16x112x96xf32>
      %reshape3A_118 = vector.shape_cast %get3A_117 : vector<16x112x96xf32> to vector<1792x96xf32>
      %convert_element_type3A_119 = arith.truncf %reshape3A_118 : vector<1792x96xf32> to vector<1792x96xbf16>
      %get3A_120 = arith.constant 6 : index
      %get3A_121 = arith.constant 0 : index
      %get3A_122 = arith.constant 0 : index
      %get3A_123 = vector.load %arg2[%get3A_120, %get3A_121, %get3A_122] : memref<9x96x12xbf16, #tpu.memory_space<vmem>>, vector<1x96x12xbf16>
      %get3A_124 = vector.shape_cast %get3A_123 : vector<1x96x12xbf16> to vector<96x12xbf16>
      %dot_general3A_125 = arith.constant dense<0.000000e+00> : vector<1792x12xf32>
      %dot_general3A_126 = tpu.matmul %convert_element_type3A_119, %get3A_124, %dot_general3A_125 {dimension_numbers = #tpu.dot_dimension_numbers<[1], [0], [0], [1], [0, 0, 1, 1], [], []>, transpose_lhs_hint = false} : vector<1792x96xbf16>, vector<96x12xbf16>, vector<1792x12xf32> -> vector<1792x12xf32>
      %add3A_127 = arith.addf %add3A_109, %dot_general3A_126 : vector<1792x12xf32>
      %add3A_128 = arith.constant 2 : i32
      %add3A_129 = arith.addi %mul3A_5, %add3A_128 : i32
      %get3A_130 = arith.constant 0 : index
      %get3A_131 = arith.index_cast %add3A_129 : i32 to index
      %get3A_132 = arith.constant 1 : index
      %get3A_133 = arith.constant 0 : index
      %get3A_134 = vector.load %arg1[%get3A_130, %get3A_131, %get3A_132, %get3A_133] : memref<1x114x114x96xf32, #tpu.memory_space<vmem>>, vector<1x16x112x96xf32>
      %get3A_135 = vector.shape_cast %get3A_134 : vector<1x16x112x96xf32> to vector<16x112x96xf32>
      %reshape3A_136 = vector.shape_cast %get3A_135 : vector<16x112x96xf32> to vector<1792x96xf32>
      %convert_element_type3A_137 = arith.truncf %reshape3A_136 : vector<1792x96xf32> to vector<1792x96xbf16>
      %get3A_138 = arith.constant 7 : index
      %get3A_139 = arith.constant 0 : index
      %get3A_140 = arith.constant 0 : index
      %get3A_141 = vector.load %arg2[%get3A_138, %get3A_139, %get3A_140] : memref<9x96x12xbf16, #tpu.memory_space<vmem>>, vector<1x96x12xbf16>
      %get3A_142 = vector.shape_cast %get3A_141 : vector<1x96x12xbf16> to vector<96x12xbf16>
      %dot_general3A_143 = arith.constant dense<0.000000e+00> : vector<1792x12xf32>
      %dot_general3A_144 = tpu.matmul %convert_element_type3A_137, %get3A_142, %dot_general3A_143 {dimension_numbers = #tpu.dot_dimension_numbers<[1], [0], [0], [1], [0, 0, 1, 1], [], []>, transpose_lhs_hint = false} : vector<1792x96xbf16>, vector<96x12xbf16>, vector<1792x12xf32> -> vector<1792x12xf32>
      %add3A_145 = arith.addf %add3A_127, %dot_general3A_144 : vector<1792x12xf32>
      %add3A_146 = arith.constant 2 : i32
      %add3A_147 = arith.addi %mul3A_5, %add3A_146 : i32
      %get3A_148 = arith.constant 0 : index
      %get3A_149 = arith.index_cast %add3A_147 : i32 to index
      %get3A_150 = arith.constant 2 : index
      %get3A_151 = arith.constant 0 : index
      %get3A_152 = vector.load %arg1[%get3A_148, %get3A_149, %get3A_150, %get3A_151] : memref<1x114x114x96xf32, #tpu.memory_space<vmem>>, vector<1x16x112x96xf32>
      %get3A_153 = vector.shape_cast %get3A_152 : vector<1x16x112x96xf32> to vector<16x112x96xf32>
      %reshape3A_154 = vector.shape_cast %get3A_153 : vector<16x112x96xf32> to vector<1792x96xf32>
      %convert_element_type3A_155 = arith.truncf %reshape3A_154 : vector<1792x96xf32> to vector<1792x96xbf16>
      %get3A_156 = arith.constant 8 : index
      %get3A_157 = arith.constant 0 : index
      %get3A_158 = arith.constant 0 : index
      %get3A_159 = vector.load %arg2[%get3A_156, %get3A_157, %get3A_158] : memref<9x96x12xbf16, #tpu.memory_space<vmem>>, vector<1x96x12xbf16>
      %get3A_160 = vector.shape_cast %get3A_159 : vector<1x96x12xbf16> to vector<96x12xbf16>
      %dot_general3A_161 = arith.constant dense<0.000000e+00> : vector<1792x12xf32>
      %dot_general3A_162 = tpu.matmul %convert_element_type3A_155, %get3A_160, %dot_general3A_161 {dimension_numbers = #tpu.dot_dimension_numbers<[1], [0], [0], [1], [0, 0, 1, 1], [], []>, transpose_lhs_hint = false} : vector<1792x96xbf16>, vector<96x12xbf16>, vector<1792x12xf32> -> vector<1792x12xf32>
      %add3A_163 = arith.addf %add3A_145, %dot_general3A_162 : vector<1792x12xf32>
      %get3A_164 = arith.constant 0 : index
      %get3A_165 = arith.constant 0 : index
      %get3A_166 = vector.load %arg3[%get3A_164, %get3A_165] : memref<1x12xf32, #tpu.memory_space<vmem>>, vector<1x12xf32>
      %add3A_167 = vector.broadcast %get3A_166 : vector<1x12xf32> to vector<1792x12xf32>
      %add3A_168 = arith.addf %add3A_163, %add3A_167 : vector<1792x12xf32>
      %reshape3A_169 = vector.shape_cast %add3A_168 : vector<1792x12xf32> to vector<16x112x12xf32>
      %swap3A = arith.constant 0 : index
      %swap3A_170 = arith.index_cast %mul3A_5 : i32 to index
      %swap3A_171 = arith.constant 0 : index
      %swap3A_172 = arith.constant 0 : index
      %swap3A_173 = vector.load %arg4[%swap3A, %swap3A_170, %swap3A_171, %swap3A_172] : memref<1x112x112x12xf32, #tpu.memory_space<vmem>>, vector<1x16x112x12xf32>
      %swap3A_174 = vector.shape_cast %swap3A_173 : vector<1x16x112x12xf32> to vector<16x112x12xf32>
      %swap3A_175 = vector.shape_cast %reshape3A_169 : vector<16x112x12xf32> to vector<1x16x112x12xf32>
      tpu.vector_store %arg4[%swap3A, %swap3A_170, %swap3A_171, %swap3A_172], %swap3A_175 {strides = array<i32>} : memref<1x112x112x12xf32, #tpu.memory_space<vmem>>, vector<1x16x112x12xf32>,
    }
    %scan3A_3 = arith.constant 7 : i32
    return
  }
  func.func @transform_0(%arg0: i32) -> (i32, i32, i32, i32) {
    %c0_i32 = arith.constant 0 : i32
    %c0_i32_0 = arith.constant 0 : i32
    %c0_i32_1 = arith.constant 0 : i32
    %c0_i32_2 = arith.constant 0 : i32
    return %arg0, %c0_i32, %c0_i32_0, %c0_i32_1 : i32, i32, i32, i32
  }
  func.func @transform_1(%arg0: i32) -> (i32, i32, i32) {
    %c0_i32 = arith.constant 0 : i32
    %c0_i32_0 = arith.constant 0 : i32
    %c0_i32_1 = arith.constant 0 : i32
    %c0_i32_2 = arith.constant 0 : i32
    return %c0_i32, %c0_i32_0, %c0_i32_1 : i32, i32, i32
  }
  func.func @transform_2(%arg0: i32) -> (i32, i32) {
    %c0_i32 = arith.constant 0 : i32
    %c0_i32_0 = arith.constant 0 : i32
    %c0_i32_1 = arith.constant 0 : i32
    return %c0_i32, %c0_i32_0 : i32, i32
  }
  func.func @transform_3(%arg0: i32) -> (i32, i32, i32, i32) {
    %c0_i32 = arith.constant 0 : i32
    %c0_i32_0 = arith.constant 0 : i32
    %c0_i32_1 = arith.constant 0 : i32
    %c0_i32_2 = arith.constant 0 : i32
    return %arg0, %c0_i32, %c0_i32_0, %c0_i32_1 : i32, i32, i32, i32
  }
}

</mosaic_0001>

<sc_bundles>
// kernel: kernel.10.cloned.1.call-start
scs
__scs_entry_jumppad:
0x0: {  	(pc) =	sbr.rel $0x88, $3  }
0x1: {  	(tag) =	ssettag $0x0;
	lr =	simm.s32 $0x1  }
0x2: {  	[smem:$0x3F93] =	sst lr;
	_ =	strace $0xD0000000  }
0x3: {  	_ = 	snop  }
0x4: {  	_ = 	snop  }
0x5: {  	_ = 	snop  }
0x6: {  	_ = 	snop  }
0x7: {  	_ = 	snop  }
__scs_overlays_trampoline_lowered:
0x8: {  	[smem:$0x3FA2] =	sst s0  }
0x9: {  	[smem:$0x3FA3] =	sst s1  }
0xa: {  	[smem:$0x3FA4] =	sst s2  }
0xb: {  	[smem:$0x3FA5] =	sst s3  }
0xc: {  	[smem:$0x3FA6] =	sst s4  }
0xd: {  	[smem:$0x3FA7] =	sst s5  }
0xe: {  	[smem:$0x3FA8] =	sst s6  }
0xf: {  	[smem:$0x3FA9] =	sst s7  }
0x10: {  	[smem:$0x3FAA] =	sst s8  }
0x11: {  	[smem:$0x3FAB] =	sst s9;
	s0 =	simm.s32 @!p0 $0x0  }
0x12: {  	s1 =	sld [smem:$0x3F91];
	s0 =	simm.s32 @p0 $0x1  }
0x13: {  	[smem:$0x3FAC] =	sst s0;
	s0 =	simm.s32 @!p1 $0x0  }
0x14: {  	s2 =	sld [smem:$0x3F90];
	s0 =	simm.s32 @p1 $0x1  }
0x15: {  	[smem:$0x3FAD] =	sst s0;
	s0 =	simm.s32 @!p2 $0x0  }
0x16: {  	s3 =	sld [smem:$0x3FDB];
	s0 =	simm.s32 @p2 $0x1  }
0x17: {  	s4 =	simm.s32 $0x1BF5;
	[smem:$0x3FAF] =	sst s0  }
0x18: {  	s0 =	sld [smem:$0x3F92];
	_ =	swait.ge [sflag:s4], $0x0  }
0x19: {  	s7 =	sld [smem:$0x3F93]  }
0x1a: {  	s8 =	sadd.s32 $0xFFFFE003, lr  }
0x1b: {  	s9 =	sadd.s32 $0xFFFFFEF7, lr;
	s5 =	simm.s32 $0xFFFFFFFF;
	p2 =	slt.u32 s8, $0xFFFFF086  }
0x1c: {  	p1 =	slt.u32 s9, $0xF7A;
	s5 =	simm.s32 @!p2 $0x0  }
0x1d: {  	s5 =	simm.s32 @p1 $0x1;
	p0 =	seq.s32 s7, s2  }
0x1e: {  	s7 =	smul.u32 @!p0 $0xF7A, s2;
	p2 =	seq.s32 @!p0 s5, $0x0  }
0x1f: {  	s9 =	smul.u32 $0xF7A, s1;
	s8 =	simm.s32 @!p0 $0x1BF5;
	p2 =	por !p2, p0  }
0x20: {  	[sflag:s8] =	ssyncset.s32 @!p0 $0xFFFFF086;
	s6 =	sadd.s32 @!p0 s3, s7;
	s7 =	simm.s32 @!p0 $0x108  }
0x21: {  	s3 =	sadd.s32 s3, s9;
	s6 =	sadd.s32 @!p0 $0x88, s6;
	s7 =	simm.s32 @p2 $0x1082  }
0x22: {  	[simem:s7], [sflag:s8] =	dma.local @!p0 [hbm:s6], $0xF7A  }
0x23: {  	s9 =	sor.u32 $0xD0000000, s2;
	s6 =	simm.s32 $0x108;
	_ =	swait.ge @!p0 [sflag:s8], $0x0  }
0x24: {  	s3 =	sadd.s32 $0x88, s3;
	s6 =	simm.s32 @!p1 $0x1082;
	[sflag:s4] =	ssyncset.s32 $0xFFFFF086  }
0x25: {  	[simem:s6], [sflag:s4] =	dma.local [hbm:s3], $0xF7A  }
0x26: {  	[smem:$0x3F93] =	sst s1;
	(tag) =	ssettag s2;
	_ =	strace s9  }
0x27: {  	s1 =	sld [smem:$0x3FA3]  }
0x28: {  	s2 =	sld [smem:$0x3FA4]  }
0x29: {  	s4 =	sld [smem:$0x3FA6]  }
0x2a: {  	p0 =	seq.s32 s5, $0x0;
	s5 =	sld [smem:$0x3FA7]  }
0x2b: {  	s6 =	sld [smem:$0x3FA8]  }
0x2c: {  	s7 =	sld [smem:$0x3FA9]  }
0x2d: {  	s3 =	simm.s32 $0x108;
	s8 =	sld [smem:$0x3FAA]  }
0x2e: {  	s3 =	simm.s32 @!p0 $0x1082;
	s9 =	sld [smem:$0x3FAB]  }
0x2f: {  	lr =	sadd.s32 s0, s3;
	s0 =	sld [smem:$0x3FA2]  }
0x30: {  	s3 =	sld [smem:$0x3FA5]  }
0x31: {  	[smem:$0x3FAE] =	sst s10  }
0x32: {  	s10 =	sld [smem:$0x3FAC];
	_ =	sdelay $0x3  }
0x33: {  	p0 =	seq.s32 s10, $0x1;
	s10 =	sld [smem:$0x3FAE];
	_ =	sdelay $0x3  }
0x34: {  	[smem:$0x3FAE] =	sst s10  }
0x35: {  	s10 =	sld [smem:$0x3FAD];
	_ =	sdelay $0x3  }
0x36: {  	p1 =	seq.s32 s10, $0x1;
	s10 =	sld [smem:$0x3FAE];
	_ =	sdelay $0x3  }
0x37: {  	[smem:$0x3FAE] =	sst s10  }
0x38: {  	s10 =	sld [smem:$0x3FAF]  }
0x39: {  	_ = 	snop;
	(pc) =	sbr.ind lr, $3  }
0x3a: {  	_ = 	snop  }
0x3b: {  	_ = 	snop  }
0x3c: {  	p2 =	seq.s32 s10, $0x1;
	s10 =	sld [smem:$0x3FAE]  }
0x3d: {  	_ =	shalt  }
0x3e: {  	_ =	shalt  }
0x3f: {  	_ =	shalt  }
0x40: {  	_ =	shalt  }
0x41: {  	_ =	shalt  }
0x42: {  	_ =	shalt  }
0x43: {  	_ =	shalt  }
0x44: {  	_ =	shalt  }
0x45: {  	_ =	shalt  }
0x46: {  	_ =	shalt  }
0x47: {  	_ =	shalt  }
0x48: {  	_ =	shalt  }
0x49: {  	_ =	shalt  }
0x4a: {  	_ =	shalt  }
0x4b: {  	_ =	shalt  }
0x4c: {  	_ =	shalt  }
0x4d: {  	_ =	shalt  }
0x4e: {  	_ =	shalt  }
0x4f: {  	_ =	shalt  }
0x50: {  	_ =	shalt  }
0x51: {  	_ =	shalt  }
0x52: {  	_ =	shalt  }
0x53: {  	_ =	shalt  }
0x54: {  	_ =	shalt  }
0x55: {  	_ =	shalt  }
0x56: {  	_ =	shalt  }
0x57: {  	_ =	shalt  }
0x58: {  	_ =	shalt  }
0x59: {  	_ =	shalt  }
0x5a: {  	_ =	shalt  }
0x5b: {  	_ =	shalt  }
0x5c: {  	_ =	shalt  }
0x5d: {  	_ =	shalt  }
0x5e: {  	_ =	shalt  }
0x5f: {  	_ =	shalt  }
0x60: {  	_ =	shalt  }
0x61: {  	_ =	shalt  }
0x62: {  	_ =	shalt  }
0x63: {  	_ =	shalt  }
0x64: {  	_ =	shalt  }
0x65: {  	_ =	shalt  }
0x66: {  	_ =	shalt  }
0x67: {  	_ =	shalt  }
0x68: {  	_ =	shalt  }
0x69: {  	_ =	shalt  }
0x6a: {  	_ =	shalt  }
0x6b: {  	_ =	shalt  }
0x6c: {  	_ =	shalt  }
0x6d: {  	_ =	shalt  }
0x6e: {  	_ =	shalt  }
0x6f: {  	_ =	shalt  }
0x70: {  	_ =	shalt  }
0x71: {  	_ =	shalt  }
0x72: {  	_ =	shalt  }
0x73: {  	_ =	shalt  }
0x74: {  	_ =	shalt  }
0x75: {  	_ =	shalt  }
0x76: {  	_ =	shalt  }
0x77: {  	_ =	shalt  }
0x78: {  	_ =	shalt  }
0x79: {  	_ =	shalt  }
0x7a: {  	_ =	shalt  }
0x7b: {  	_ =	shalt  }
0x7c: {  	_ =	shalt  }
0x7d: {  	_ =	shalt  }
0x7e: {  	_ =	shalt  }
0x7f: {  	_ =	shalt  }
0x80: {  	_ =	shalt  }
0x81: {  	_ =	shalt  }
0x82: {  	_ =	shalt  }
0x83: {  	_ =	shalt  }
0x84: {  	_ =	shalt  }
0x85: {  	_ =	shalt  }
0x86: {  	_ =	shalt  }
0x87: {  	_ =	shalt  }
.Lfunc_end0:
.L_simem_size_0:
called_computation.2_lowered:
.L_overlay_start_0:
0x88: {  	s2 =	sld [smem:$0x3FD9]  }
0x89: {  	s3 =	sld [smem:$0x3FFE];
	_ =	sdelay $0x1  }
0x8a: {  	s1 =	srdreg.scid  }
0x8b: {  	s0 =	sand.u32 $0x1, s1  }
0x8c: {  	s15 =	sshll.u32 s0, $0xA;
	s2 =	sadd.s32 s3, s2  }
0x8d: {  	s2 =	sadd.s32 s2, s15  }
0x8e: {  	[smem:$0x3FBA] =	sst s2  }
0x8f: {  	_ = 	snop  }
0x90: {  	s2 =	sld [smem:$0x3FD0];
	_ =	sdelay $0x2  }
0x91: {  	s16 =	simm.s32 $0xB;
	s4 =	simm.s32 $0x10  }
0x92: {  	[smem:s4], [sflag:s16] =	dma.local [hbm:s2], $0x1  }
0x93: {  	_ =	swait.eq [sflag:s16], $0x1  }
0x94: {  	[sflag:s16] =	ssyncset.done $0x0  }
0x95: {  	[sflag:s16] =	ssyncadd.s32 $0xFFFFFFFF  }
0x96: {  	s17 =	sld [smem:$0x12];
	(tm) =	ssettm $0x1  }
0x97: {  	s18 =	sld [smem:$0x3FFB];
	_ =	sdelay $0x3  }
0x98: {  	_ =	strace s18  }
0x99: {  	s2 =	sld [smem:$0x3FFC];
	_ =	sdelay $0x3  }
0x9a: {  	_ =	strace s2  }
0x9b: {  	s2 =	sld [smem:$0x3FFD];
	_ =	sdelay $0x3  }
0x9c: {  	_ =	strace s2  }
0x9d: {  	_ =	strace $0x8FFFFFFF  }
0x9e: {  	s19 =	sld [smem:$0x3FDB];
	_ =	sdelay $0x1  }
0x9f: {  	s20 =	simm.s32 $_scs_section_size  }
0xa0: {  	s5 =	simm.s32 $_size__tile_overlayer_lowered;
	s6 =	simm.s32 $_tile_overlayer_lowered  }
0xa1: {  	s7 =	simm.s32 $0x1BFF;
	s21 =	sshll.u32 s6, $0x1;
	s4 =	sadd.s32 s20, s19  }
0xa2: {  	s22 =	simm.s32 $0x0;
	s5 =	sshll.u32 s5, $0x1;
	s6 =	sadd.s32 s21, s4  }
0xa3: {  	[timem:s22], [sflag:s7] =	dma.local [hbm:s6], s5  }
0xa4: {  	_ =	swait.ge [sflag:s7], s5  }
0xa5: {  	s5 =	ssub.s32 $0x0, s5;
	[sflag:s7] =	ssyncset.done $0x0  }
0xa6: {  	[sflag:s7] =	ssyncadd.s32 s5;
	_ =	sdelay $0x1  }
0xa7: {  	s23 =	simm.s32 $0x1B8B  }
0xa8: {  	_ =	swait.ge [sflag:s23], $0x1  }
0xa9: {  	[sflag:s23] =	ssyncset.done $0x0  }
0xaa: {  	[sflag:s23] =	ssyncadd.s32 $0xFFFFFFFF  }
0xab: {  	s5 =	sld [smem:$0x0]  }
0xac: {  	s6 =	sand.u32 $0xFFFFFFFE, s1  }
0xad: {  	p0 =	sne.s32 s1, s6  }
0xae: {  	s6 =	sshll.u32 @p0 s6, $0xE  }
0xaf: {  	s6 =	sadd.s32 @p0 $0x11B8D, s6;
	s7 =	sshll.u32 @p0 s5, $0x11  }
0xb0: {  	s6 =	sor.u32 @p0 s7, s6  }
0xb1: {  	[sflag:s6] =	ssyncadd.remote.s32 @p0 $0x1;
	_ =	sdelay $0x1  }
0xb2: {  	s6 =	simm.s32 @p0 $0x1B8D  }
0xb3: {  	_ =	swait.eq @p0 [sflag:s6], $0x1  }
0xb4: {  	[sflag:s6] =	ssyncadd.s32 @p0 $0xFFFFFFFF  }
0xb5: {  	s7 =	sshll.u32 @!p0 s1, $0xE  }
0xb6: {  	s7 =	sor.u32 @!p0 $0x4000, s7;
	s6 =	simm.s32 @!p0 $0x1B8D  }
0xb7: {  	s5 =	sshll.u32 @!p0 s5, $0x11;
	s7 =	sadd.s32 @!p0 $0x11B8D, s7;
	_ =	swait.eq @!p0 [sflag:s6], $0x1  }
0xb8: {  	s5 =	sor.u32 @!p0 s5, s7;
	[sflag:s6] =	ssyncadd.s32 @!p0 $0xFFFFFFFF  }
0xb9: {  	s25 =	simm.s32 $0x1B8E;
	s24 =	sld [smem:$0x3FFE];
	[sflag:s5] =	ssyncadd.remote.s32 @!p0 $0x1  }
0xba: {  	s26 =	simm.s32 $execute0_lowered;
	[smem:$0x3FD2] =	sst s25  }
0xbb: {  	s6 =	sshll.u32 s26, $0x1;
	_ =	strace $0x8000004C;
	[dreg:$0x1] =	wrdreg $0xFFFFFFFF  }
0xbc: {  	s28 =	simm.s32 $_size_execute0_lowered;
	s4 =	sadd.s32 s4, s6;
	[dreg:$0x0] =	wrdreg $0x0  }
0xbd: {  	s6 =	sshll.u32 s28, $0x1;
	[dreg:$0x2] =	wrdreg s4  }
0xbe: {  	[dreg:$0x3] =	wrdreg s6  }
0xbf: {  	[dreg:$0x4] =	wrdreg $0xC0  }
0xc0: {  	_ =	task [dreg:s22], $0x5FFFF  }
0xc1: {  	[dreg:$0x1] =	wrdreg $0xFFFFFFFF  }
0xc2: {  	[dreg:$0x0] =	wrdreg $0x60  }
0xc3: {  	[dreg:$0x2] =	wrdreg s24  }
0xc4: {  	[dreg:$0x3] =	wrdreg s17  }
0xc5: {  	[dreg:$0x4] =	wrdreg $0xA  }
0xc6: {  	_ =	task.clear_ibuf [dreg:s22], $0x5FFFF;
	_ =	strace $0x9000004C  }
0xc7: {  	s29 =	simm.s32 $0xA;
	_ =	strace $0x8000004E  }
0xc8: {  	_ =	swait.ge [sflag:s29], $0x1  }
0xc9: {  	[sflag:s29] =	ssyncadd.s32 $0xFFFFFFFF  }
0xca: {  	_ =	strace $0x9000004E  }
0xcb: {  	_ =	sfence  }
0xcc: {  	s30 =	sld [smem:$0x0];
	_ =	sdelay $0x2  }
0xcd: {  	s31 =	sshll.u32 s1, $0xD;
	s1 =	sshrl.u32 s1, $0x2  }
0xce: {  	s4 =	sand.u32 $0x4000, s31;
	s1 =	sadd.s32 s1, s30  }
0xcf: {  	s0 =	sor.u32 s4, s0;
	s1 =	sshll.u32 s1, $0x11  }
0xd0: {  	s0 =	sor.u32 s1, s0  }
0xd1: {  	s0 =	sadd.s32 $0x8F2B, s0  }
0xd2: {  	[sflag:s0] =	ssyncadd.remote.s32 $0x1  }
0xd3: {  	_ =	sfence.sel $0xFFFF  }
0xd4: {  	[dreg:$0x0] =	wrdreg $0xFFFFFFFF;
	(pc) =	sbr.abs _section_cstart, $3  }
0xd5: {  	[dreg:$0x1] =	wrdreg $0xFFFFFFFF  }
0xd6: {  	_ =	task.clear_ibuf [dreg:s22], $0x2FFFF;
	_ =	strace $0x9FFFFFFF  }
0xd7: {  	(tm) =	ssettm $0x7FFFFFFF  }
tec
execute0_lowered:
.L_overlay_start_1:
0x0: {  	(tag) =	ssettag $0x1  }
0x1: {  	s1 =	srdreg.scid;
	s0 =	stileid.u32  }
0x2: {  	s6 =	sand.u32 $0x1, s1;
	s30 =	sshll.u32 s0, $0x1  }
0x3: {  	s5 =	rddreg [dreg:$0x0];
	s9 =	sor.u32 s6, s30  }
0x4: {  	s10 =	rddreg [dreg:$0x1];
	s2 =	simm.s32 $0x0;
	s3 =	smul.u32 $0x62, s9  }
0x5: {  	s7 =	simm.s32 $0x380;
	[smem:$0x7FF] =	sst s2  }
0x6: {  	s1 =	rddreg [dreg:$0x2];
	_ =	strace $0x8000004D;
	s3 =	sadd.s32 s3, s5  }
0x7: {  	s11 =	ssub.s32 $0x2, s6;
	s4 =	sadd.s32 $0x6A00, s3;
	s3 =	simm.s32 $0x2  }
0x8: {  	[tilespmem:s2], [sflag:$0x2] =	stream.linear.gather [hbm4b:s4+s2], $0x310, $0x38;
	[tilespmem:$0x18B80] =	vst v63  }
0x9: {  	s8 =	simm.s32 $0x1;
	s12 =	sshrl.u32 s11, $0x1;
	_ =	swait.ge [sflag:s3], $0x310  }
0xa: {  	s6 =	simm.s32 $0x310;
	s11 =	ssub.s32 s11, s12;
	[sflag:s3] =	ssyncset.done $0x0  }
0xb: {  	s5 =	sadd.s32 $0x2A00, s5;
	s31 =	smax.u32 s11, $0x1;
	[sflag:s3] =	ssyncadd.s32 $0xFFFFFCF0  }
0xc: {  	[tilespmem:s7], [sflag:$0x1] =	stream.indirect.gather [hbm4b:s5+s6], $0x80, s2, s6, $0xb8;
	[tilespmem:$0x18B80] =	vst v63  }
0xd: {  	s9 =	smul.u32 $0x3100, s9;
	p0 =	sne.s32 s31, $0x1;
	_ =	swait.ge [sflag:s8], $0x18800  }
.Ltmp0:
0xe: {  	[sflag:s8] =	ssyncset.done $0x0;
	(pc) =	sbr.rel @!p0 .LBB2_2-.Ltmp0, $4  }
0xf: {  	s9 =	sadd.s32 s10, s9;
	[sflag:s8] =	ssyncadd.s32 $0xFFFE7800  }
0x10: {  	[hbm4b:s9+s2] =	stream.linear.scatter [tilespmem:s7], [sflag:$0x2], $0x18800, $0x38;
	[tilespmem:$0x18B80] =	vst v63  }
0x11: {  	_ =	swait.ge [sflag:s3], $0x18800  }
0x12: {  	s10 =	sadd.s32 $0xFFFFFFFF, s31;
	[sflag:s3] =	ssyncset.done $0x0  }
.LBB2_1:
0x13: {  	p0 =	sne.s32 s10, $0x1;
	s10 =	sadd.s32 $0xFFFFFFFF, s10;
	[sflag:s3] =	ssyncadd.s32 $0xFFFE7800  }
0x14: {  	[tilespmem:s2], [sflag:$0x2] =	stream.linear.gather [hbm4b:s4+s2], $0x310, $0x38;
	[tilespmem:$0x18B80] =	vst v63  }
0x15: {  	_ =	swait.ge [sflag:s3], $0x310  }
0x16: {  	[sflag:s3] =	ssyncset.done $0x0  }
0x17: {  	[sflag:s3] =	ssyncadd.s32 $0xFFFFFCF0  }
0x18: {  	[tilespmem:s7], [sflag:$0x1] =	stream.indirect.gather [hbm4b:s5+s6], $0x80, s2, s6, $0xb8;
	[tilespmem:$0x18B80] =	vst v63  }
0x19: {  	_ =	swait.ge [sflag:s8], $0x18800  }
.Ltmp1:
0x1a: {  	[sflag:s8] =	ssyncset.done $0x0;
	(pc) =	sbr.rel @p0 .LBB2_1-.Ltmp1, $4  }
0x1b: {  	[sflag:s8] =	ssyncadd.s32 $0xFFFE7800  }
0x1c: {  	[hbm4b:s9+s2] =	stream.linear.scatter [tilespmem:s7], [sflag:$0x2], $0x18800, $0x38;
	[tilespmem:$0x18B80] =	vst v63  }
0x1d: {  	_ =	swait.ge [sflag:s3], $0x18800  }
0x1e: {  	[sflag:s3] =	ssyncset.done $0x0  }
.LBB2_2:
0x1f: {  	[sflag:s3] =	ssyncadd.s32 $0xFFFE7800  }
0x20: {  	_ =	sfence.sel $0x180000  }
0x21: {  	[bflag:$0x0] =	sbarrier.arrive $0xFFFF  }
0x22: {  	p0 =	sne.s32 s0, $0x0;
	_ =	strace $0x9000004D  }
0x23: {  	s0 =	sadd.s32 @!p0 $0x100000, s1;
	[bflag:$0x2] =	sbarrier.arrive $0xFFFF  }
0x24: {  	[sflag:s0] =	ssyncadd.tile.s32 @!p0 $0x1;
	_ =	shalt  }
.Lfunc_end2:
_tile_overlayer_lowered:
.L_overlay_start_2:
0x25: {  	(tag) =	ssettag $0x2  }
0x26: {  	s0 =	rddreg [dreg:$0x0];
	s2 =	stileid.u32  }
0x27: {  	s1 =	rddreg [dreg:$0x1];
	p0 =	sne.s32 s2, $0x0  }
0x28: {  	s3 =	rddreg [dreg:$0x2];
	[bflag:$0x3] =	sbarrier.arrive $0xFFFF;
	s2 =	simm.s32 @!p0 $0x1C02  }
0x29: {  	[timem:s3], [sflag:s2] =	dma.local @!p0 [hbm:s0], s1  }
0x2a: {  	s0 =	simm.s32 @!p0 $0x2  }
0x2b: {  	_ =	swait.ge @!p0 [sflag:s0], s1  }
0x2c: {  	s1 =	ssub.s32 @!p0 $0x0, s1;
	[sflag:s0] =	ssyncset.done @!p0 $0x0  }
0x2d: {  	[sflag:s0] =	ssyncadd.s32 @!p0 s1  }
0x2e: {  	[bflag:$0x3] =	sbarrier.arrive $0xFFFF  }
0x2f: {  	_ =	shalt  }

// kernel: sparse-core-data-format-call.1.cloned.1.call-start
scs
called_computation.1_lowered:
.L_overlay_start_0:
0x0: {  	s1 =	sld [smem:$0x3FD9]  }
0x1: {  	s2 =	sld [smem:$0x3FFE];
	_ =	sdelay $0x1  }
0x2: {  	s3 =	srdreg.scid  }
0x3: {  	s0 =	sand.u32 $0x1, s3  }
0x4: {  	s17 =	sshll.u32 s0, $0xA;
	s1 =	sadd.s32 s2, s1  }
0x5: {  	s1 =	sadd.s32 s1, s17  }
0x6: {  	[smem:$0x3FBA] =	sst s1  }
0x7: {  	_ = 	snop  }
0x8: {  	(tm) =	ssettm $0x1  }
0x9: {  	s18 =	sld [smem:$0x3FFB];
	_ =	sdelay $0x3  }
0xa: {  	_ =	strace s18  }
0xb: {  	s1 =	sld [smem:$0x3FFC];
	_ =	sdelay $0x3  }
0xc: {  	_ =	strace s1  }
0xd: {  	s1 =	sld [smem:$0x3FFD];
	_ =	sdelay $0x3  }
0xe: {  	_ =	strace s1  }
0xf: {  	_ =	strace $0x8FFFFFFF  }
0x10: {  	s19 =	sld [smem:$0x3FDB];
	_ =	sdelay $0x1  }
0x11: {  	s20 =	simm.s32 $_scs_section_size  }
0x12: {  	s4 =	simm.s32 $_size__tile_overlayer_lowered;
	s5 =	simm.s32 $_tile_overlayer_lowered  }
0x13: {  	s23 =	simm.s32 $0x1BFF;
	s22 =	sshll.u32 s5, $0x1;
	s1 =	sadd.s32 s20, s19  }
0x14: {  	s6 =	simm.s32 $0x0;
	s21 =	sshll.u32 s4, $0x1;
	s4 =	sadd.s32 s22, s1  }
0x15: {  	[timem:s6], [sflag:s23] =	dma.local [hbm:s4], s21  }
0x16: {  	_ =	swait.ge [sflag:s23], s21  }
0x17: {  	s2 =	ssub.s32 $0x0, s21;
	[sflag:s23] =	ssyncset.done $0x0  }
0x18: {  	[sflag:s23] =	ssyncadd.s32 s2;
	_ =	sdelay $0x1  }
0x19: {  	s24 =	simm.s32 $0x1B8B  }
0x1a: {  	_ =	swait.ge [sflag:s24], $0x1  }
0x1b: {  	[sflag:s24] =	ssyncset.done $0x0  }
0x1c: {  	s26 =	simm.s32 $0x1B8E;
	s25 =	sld [smem:$0x3FFE];
	[sflag:s24] =	ssyncadd.s32 $0xFFFFFFFF  }
0x1d: {  	s27 =	simm.s32 $execute0_lowered;
	[smem:$0x3FD2] =	sst s26  }
0x1e: {  	s4 =	sshll.u32 s27, $0x1;
	_ =	strace $0x80000046;
	[dreg:$0x1] =	wrdreg $0xFFFFFFFF  }
0x1f: {  	s28 =	simm.s32 $_size_execute0_lowered;
	s1 =	sadd.s32 s1, s4;
	[dreg:$0x0] =	wrdreg $0x0  }
0x20: {  	s4 =	sshll.u32 s28, $0x1;
	[dreg:$0x2] =	wrdreg s1  }
0x21: {  	[dreg:$0x3] =	wrdreg s4  }
0x22: {  	[dreg:$0x4] =	wrdreg $0xC0  }
0x23: {  	_ =	task [dreg:s6], $0x5FFFF  }
0x24: {  	[dreg:$0x1] =	wrdreg $0xFFFFFFFF  }
0x25: {  	[dreg:$0x0] =	wrdreg $0x60  }
0x26: {  	[dreg:$0x2] =	wrdreg s25  }
0x27: {  	[dreg:$0x3] =	wrdreg $0x9  }
0x28: {  	_ =	task.clear_ibuf [dreg:s6], $0x4FFFF;
	_ =	strace $0x90000046  }
0x29: {  	s29 =	simm.s32 $0x9;
	_ =	strace $0x80000048  }
0x2a: {  	_ =	swait.ge [sflag:s29], $0x1  }
0x2b: {  	[sflag:s29] =	ssyncadd.s32 $0xFFFFFFFF  }
0x2c: {  	_ =	strace $0x90000048  }
0x2d: {  	_ =	sfence  }
0x2e: {  	s30 =	sld [smem:$0x0];
	_ =	sdelay $0x2  }
0x2f: {  	s31 =	sshll.u32 s3, $0xD;
	s3 =	sshrl.u32 s3, $0x2  }
0x30: {  	s2 =	sand.u32 $0x4000, s31;
	s1 =	sadd.s32 s3, s30  }
0x31: {  	s0 =	sor.u32 s2, s0;
	s1 =	sshll.u32 s1, $0x11  }
0x32: {  	s0 =	sor.u32 s1, s0  }
0x33: {  	s0 =	sadd.s32 $0x8F2B, s0  }
0x34: {  	[sflag:s0] =	ssyncadd.remote.s32 $0x1  }
0x35: {  	_ =	sfence.sel $0xFFFF  }
0x36: {  	[dreg:$0x0] =	wrdreg $0xFFFFFFFF;
	(pc) =	sbr.abs _section_cstart, $3  }
0x37: {  	[dreg:$0x1] =	wrdreg $0xFFFFFFFF  }
0x38: {  	_ =	task.clear_ibuf [dreg:s6], $0x2FFFF;
	_ =	strace $0x9FFFFFFF  }
0x39: {  	(tm) =	ssettm $0x7FFFFFFF  }
tec
execute0_lowered:
.L_overlay_start_1:
0x0: {  	(tag) =	ssettag $0x1  }
0x1: {  	s0 =	stileid.u32;
	s29 =	srdreg.scid  }
0x2: {  	s7 =	rddreg [dreg:$0x0];
	s5 =	simm.s32 $0x1;
	s30 =	simm.s32 $0x2  }
0x3: {  	s15 =	simm.s32 $0x0;
	s11 =	simm.s32 $0x200;
	s16 =	simm.s32 $0x0  }
0x4: {  	s17 =	simm.s32 $0x0;
	s12 =	simm.s32 $0x0;
	s1 =	sshrl.u32 s0, $0x1  }
0x5: {  	s14 =	simm.s32 $0x0;
	s4 =	sshll.u32 s29, $0x4;
	s2 =	sand.u32 $0x1, s1  }
0x6: {  	s1 =	rddreg [dreg:$0x1];
	s4 =	sand.u32 $0x10, s4;
	_ =	strace $0x80000047  }
0x7: {  	s3 =	smul.u32 $0x3900, s2;
	s4 =	sor.u32 s0, s4;
	s6 =	ssub.s32 $0x2, s2  }
0x8: {  	[sflag:s5] =	ssyncpa.u1 $0x0;
	s9 =	sshrl.u32 s6, $0x1;
	s6 =	sand.u32 $0x1, s6  }
.Ltmp0:
0x9: {  	s8 =	sadd.s32 s3, s7;
	s3 =	sand.u32 $0x1, s0;
	(pc) =	sbr.rel .LBB1_1-.Ltmp0, $4  }
0xa: {  	s4 =	sshrl.u32 s4, $0x2;
	s6 =	sadd.s32 s6, s9;
	s10 =	sxor.u32 $0x1D, s3  }
0xb: {  	[sflag:s30] =	ssyncpa.u1 $0x0;
	s31 =	sshll.u32 s4, $0x4;
	s6 =	smul.u32 s10, s6  }
0xc: {  	s7 =	sadd.s32 $0x320C00, s7;
	s8 =	sadd.s32 s31, s8;
	s13 =	smov.u32 s3  }
0xd: {  	s8 =	sadd.s32 $0x18AA00, s8;
	s10 =	simm.s32 $0x100;
	s9 =	sadd.s32 $0x1, s6  }
.LBB1_9:
0xe: {  	s20 =	smul.u32 $0xE40, s12;
	_ =	sdelay $0x1  }
0xf: {  	s16 =	smul.u32 $0x32C40, s16;
	s17 =	sshll.u32 s17, $0x5;
	s20 =	sadd.s32 s7, s20  }
0x10: {  	s17 =	sadd.s32 s17, s20  }
0x11: {  	s16 =	sadd.s32 s16, s17  }
0x12: {  	[hbm4b:s16+s10] =	stream.strided.scatter [tilespmem:s19], [sflag:$0x2], s18, s11, s10, $0x38;
	[tilespmem:$0x10000] =	vst v63  }
.LBB1_10:
0x13: {  	p0 =	slt.u32 s14, $0x2  }
0x14: {  	p1 =	sgt.s32 @!p0 s15, $0x38  }
0x15: {  	s16 =	smov.u32 s15;
	s17 =	sshra.s32 @!p0 s15, $0x1F;
	p1 =	por !p1, p0  }
0x16: {  	s15 =	sand.u32 @!p0 s17, s15;
	s16 =	simm.s32 @p1 $0x38  }
0x17: {  	s15 =	ssub.s32 @!p0 s16, s15  }
0x18: {  	s16 =	ssub.s32 @!p0 $0x39, s15  }
0x19: {  	s15 =	sadd.s32 @!p0 $0xFFFFFFC8, s15;
	s16 =	smul.u32 @!p0 $0x3900, s16  }
0x1a: {  	p1 =	sgt.s32 @!p0 s15, $0x0  }
0x1b: {  	s18 =	sadd.s32 $0x2, s13;
	p1 =	por !p1, p0;
	s15 =	sand.u32 @!p0 $0x3FFFFF00, s16  }
0x1c: {  	s15 =	simm.s32 @!p1 $0x0;
	p1 =	sgt.s32 s18, $0x38  }
0x1d: {  	s18 =	smov.u32 @p1 s3;
	p1 =	sne.s32 s14, s9  }
.Ltmp1:
0x1e: {  	s16 =	simm.s32 @!p0 $0x2;
	(pc) =	sbr.rel @!p1 .LBB1_11-.Ltmp1, $4  }
0x1f: {  	_ =	swait.ge @!p0 [sflag:s16], s15  }
0x20: {  	s17 =	ssub.s32 @!p0 $0x0, s15;
	s15 =	smov.u32 s12;
	s14 =	sadd.s32 $0x1, s14  }
0x21: {  	s12 =	smov.u32 s13;
	[sflag:s16] =	ssyncset.done @!p0 $0x0;
	s13 =	smov.u32 s18  }
0x22: {  	[sflag:s16] =	ssyncadd.s32 @!p0 s17;
	s16 =	smov.u32 s4;
	s17 =	smov.u32 s2  }
.LBB1_1:
0x23: {  	p0 =	sge.u32 s14, s6  }
0x24: {  	p1 =	sgt.s32 @!p0 s13, $0x38  }
0x25: {  	s18 =	smov.u32 s13;
	s19 =	sshra.s32 @!p0 s13, $0x1F;
	p1 =	por !p1, p0  }
0x26: {  	s19 =	sand.u32 @!p0 s19, s13;
	s18 =	simm.s32 @p1 $0x38  }
0x27: {  	s18 =	ssub.s32 @!p0 s18, s19  }
0x28: {  	s19 =	ssub.s32 @!p0 $0x39, s18  }
0x29: {  	s31 =	sadd.s32 $0xFFFFFFFF, s14;
	s19 =	smul.u32 @!p0 $0x3900, s19  }
0x2a: {  	s20 =	sxor.u32 @!p0 $0xFFFFFFFF, s14;
	s21 =	simm.s32 @!p0 $0x80;
	s18 =	sadd.s32 @!p0 $0xFFFFFFC8, s18  }
0x2b: {  	p1 =	sgt.s32 @!p0 s18, $0x0;
	s18 =	sand.u32 @!p0 $0x3FFFFF00, s19;
	s19 =	smul.u32 @!p0 $0x7200, s13  }
0x2c: {  	s22 =	simm.s32 @!p0 $0x400;
	s20 =	sshll.u32 @!p0 s20, $0xE;
	p1 =	por !p1, p0  }
0x2d: {  	s20 =	sand.u32 @!p0 $0x4000, s20;
	s18 =	simm.s32 @!p1 $0x0;
	s19 =	sadd.s32 @!p0 s19, s8  }
0x2e: {  	[tilespmem:s20], [sflag:$0x1] =	stream.strided.gather @!p0 [hbm4b:s19+s21], s18, s22, s21, $0x38;
	[tilespmem:$0x10000] =	vst v63  }
0x2f: {  	p0 =	sge.u32 s31, s6  }
.Ltmp2:
0x30: {  	_ = 	snop;
	(pc) =	sbr.rel @p0 .LBB1_10-.Ltmp2, $1  }
0x31: {  	_ =	sdelay $0x3  }
0x32: {  	p0 =	sgt.s32 s12, $0x38;
	s18 =	smov.u32 s12;
	s19 =	sshra.s32 s12, $0x1F  }
0x33: {  	s18 =	simm.s32 @!p0 $0x38;
	s19 =	sand.u32 s19, s12  }
0x34: {  	s18 =	ssub.s32 s18, s19  }
0x35: {  	s19 =	ssub.s32 $0x39, s18  }
0x36: {  	s19 =	smul.u32 $0x3900, s19  }
0x37: {  	s18 =	sadd.s32 $0xFFFFFFC8, s18  }
0x38: {  	p0 =	sgt.s32 s18, $0x0;
	s18 =	sand.u32 $0x3FFFFF00, s19;
	s19 =	sadd.s32 $0x1, s12  }
0x39: {  	s18 =	simm.s32 @p0 $0x0;
	p0 =	slt.s32 s19, $0x39  }
0x3a: {  	s19 =	simm.s32 @!p0 $0x39  }
0x3b: {  	s20 =	ssub.s32 s19, s12  }
0x3c: {  	p0 =	slt.s32 s20, $0x1  }
.Ltmp3:
0x3d: {  	_ = 	snop;
	(pc) =	sbr.rel @p0 .LBB1_9-.Ltmp3, $4  }
0x3e: {  	_ = 	snop  }
0x3f: {  	s21 =	sshll.u32 s14, $0xE;
	_ =	swait.ge [sflag:s5], s18  }
0x40: {  	s21 =	sand.u32 $0x4000, s21;
	s22 =	ssub.s32 $0x0, s18;
	[sflag:s5] =	ssyncset.done $0x0  }
0x41: {  	s19 =	sor.u32 $0x8000, s21;
	[sflag:s5] =	ssyncadd.s32 s22  }
0x42: {  	s22 =	simm.s32 $0x0  }
.LBB1_4:
0x43: {  	s23 =	sshll.u32 s22, $0x10  }
0x44: {  	s24 =	sshra.s32 s23, $0x2  }
0x45: {  	s25 =	simm.s32 $0x0;
	s23 =	sadd.s32 s24, s21;
	s24 =	sadd.s32 s24, s19  }
.LBB1_5:
0x46: {  	s26 =	sshll.u32 s25, $0x8  }
0x47: {  	s27 =	sadd.s32 s26, s23  }
0x48: {  	v0 =	vmov s27;
	_ =	sdelay $0x1  }
0x49: {  	s28 =	sadd.s32 s26, s24  }
0x4a: {  	p0 =	por $0x1, $0x1;
	s26 =	simm.s32 $0x0;
	v1 =	vmov s28  }
.LBB1_6:
0x4b: {  	s26 =	sshra.s32 s26, $0x2  }
0x4c: {  	v2 =	vld.idx.msk [tilespmem:v0+s26+$0x0 ss:$0x1], $0xffff  }
0x4d: {  	v3 =	vld.idx.msk [tilespmem:v0+s26+$0x10 ss:$0x1], $0xffff  }
0x4e: {  	v4 =	vld.idx.msk [tilespmem:v0+s26+$0x20 ss:$0x1], $0xffff  }
0x4f: {  	v5 =	vld.idx.msk [tilespmem:v0+s26+$0x30 ss:$0x1], $0xffff  }
0x50: {  	v6 =	vld.idx.msk [tilespmem:v0+s26+$0x40 ss:$0x1], $0xffff  }
0x51: {  	p1 =	por p0, p0;
	[tilespmem:v1+s26+$0x0 ss:$0x1] =	vst.idx.msk $0xffff, v2;
	v2 =	vld.idx.msk [tilespmem:v0+s26+$0x50 ss:$0x1], $0xffff  }
.Ltmp4:
0x52: {  	[tilespmem:v1+s26+$0x10 ss:$0x1] =	vst.idx.msk $0xffff, v3;
	(pc) =	sbr.rel @p1 .LBB1_6-.Ltmp4, $4  }
0x53: {  	[tilespmem:v1+s26+$0x20 ss:$0x1] =	vst.idx.msk $0xffff, v4  }
0x54: {  	[tilespmem:v1+s26+$0x30 ss:$0x1] =	vst.idx.msk $0xffff, v5  }
0x55: {  	[tilespmem:v1+s26+$0x40 ss:$0x1] =	vst.idx.msk $0xffff, v6  }
0x56: {  	p0 =	por $0x0, $0x0;
	[tilespmem:v1+s26+$0x50 ss:$0x1] =	vst.idx.msk $0xffff, v2;
	s26 =	simm.s32 $0x200  }
0x57: {  	s25 =	sadd.s32 $0x1, s25  }
0x58: {  	p0 =	sne.s32 s25, $0x39  }
.Ltmp5:
0x59: {  	_ = 	snop;
	(pc) =	sbr.rel @p0 .LBB1_5-.Ltmp5, $1  }
0x5a: {  	_ =	sdelay $0x3  }
0x5b: {  	s22 =	sadd.s32 $0x1, s22  }
0x5c: {  	p0 =	sne.s32 s22, s20  }
.Ltmp6:
0x5d: {  	_ = 	snop;
	(pc) =	sbr.rel @p0 .LBB1_4-.Ltmp6, $4  }
.Ltmp7:
0x5e: {  	_ = 	snop;
	(pc) =	sbr.rel @!p0 .LBB1_9-.Ltmp7, $4  }
0x5f: {  	_ = 	snop  }
0x60: {  	_ = 	snop  }
0x61: {  	_ = 	snop  }
0x62: {  	_ = 	snop  }
.LBB1_11:
0x63: {  	_ =	sfence.sel $0x180000  }
0x64: {  	s2 =	simm.s32 $0x1;
	[bflag:$0x0] =	sbarrier.arrive $0xFFFF  }
0x65: {  	s31 =	simm.s32 $0x2;
	[sflag:s2] =	ssyncpa.u1 $0x1  }
0x66: {  	[sflag:s31] =	ssyncpa.u1 $0x1  }
0x67: {  	p0 =	sne.s32 s0, $0x0;
	_ =	strace $0x90000047  }
0x68: {  	s0 =	sadd.s32 @!p0 $0x100000, s1;
	[bflag:$0x2] =	sbarrier.arrive $0xFFFF  }
0x69: {  	[sflag:s0] =	ssyncadd.tile.s32 @!p0 $0x1;
	_ =	shalt  }
.Lfunc_end1:
_tile_overlayer_lowered:
.L_overlay_start_2:
0x6a: {  	(tag) =	ssettag $0x2  }
0x6b: {  	s0 =	rddreg [dreg:$0x0];
	s2 =	stileid.u32  }
0x6c: {  	s1 =	rddreg [dreg:$0x1];
	p0 =	sne.s32 s2, $0x0  }
0x6d: {  	s3 =	rddreg [dreg:$0x2];
	[bflag:$0x3] =	sbarrier.arrive $0xFFFF;
	s2 =	simm.s32 @!p0 $0x1C01  }
0x6e: {  	[timem:s3], [sflag:s2] =	dma.local @!p0 [hbm:s0], s1  }
0x6f: {  	s0 =	simm.s32 @!p0 $0x1  }
0x70: {  	_ =	swait.ge @!p0 [sflag:s0], s1  }
0x71: {  	s1 =	ssub.s32 @!p0 $0x0, s1;
	[sflag:s0] =	ssyncset.done @!p0 $0x0  }
0x72: {  	[sflag:s0] =	ssyncadd.s32 @!p0 s1  }
0x73: {  	[bflag:$0x3] =	sbarrier.arrive $0xFFFF  }
0x74: {  	_ =	shalt  }

// kernel: sparse-core-data-format-call.cloned.1.call-start
scs
called_computation_lowered:
.L_overlay_start_0:
0x0: {  	s1 =	sld [smem:$0x3FD9]  }
0x1: {  	s2 =	sld [smem:$0x3FFE];
	_ =	sdelay $0x1  }
0x2: {  	s3 =	srdreg.scid  }
0x3: {  	s0 =	sand.u32 $0x1, s3  }
0x4: {  	s17 =	sshll.u32 s0, $0xA;
	s1 =	sadd.s32 s2, s1  }
0x5: {  	s1 =	sadd.s32 s1, s17  }
0x6: {  	[smem:$0x3FBA] =	sst s1  }
0x7: {  	_ = 	snop  }
0x8: {  	(tm) =	ssettm $0x1  }
0x9: {  	s18 =	sld [smem:$0x3FFB];
	_ =	sdelay $0x3  }
0xa: {  	_ =	strace s18  }
0xb: {  	s1 =	sld [smem:$0x3FFC];
	_ =	sdelay $0x3  }
0xc: {  	_ =	strace s1  }
0xd: {  	s1 =	sld [smem:$0x3FFD];
	_ =	sdelay $0x3  }
0xe: {  	_ =	strace s1  }
0xf: {  	_ =	strace $0x8FFFFFFF  }
0x10: {  	s19 =	sld [smem:$0x3FDB];
	_ =	sdelay $0x1  }
0x11: {  	s20 =	simm.s32 $_scs_section_size  }
0x12: {  	s4 =	simm.s32 $_size__tile_overlayer_lowered;
	s5 =	simm.s32 $_tile_overlayer_lowered  }
0x13: {  	s23 =	simm.s32 $0x1BFF;
	s22 =	sshll.u32 s5, $0x1;
	s1 =	sadd.s32 s20, s19  }
0x14: {  	s6 =	simm.s32 $0x0;
	s21 =	sshll.u32 s4, $0x1;
	s4 =	sadd.s32 s22, s1  }
0x15: {  	[timem:s6], [sflag:s23] =	dma.local [hbm:s4], s21  }
0x16: {  	_ =	swait.ge [sflag:s23], s21  }
0x17: {  	s2 =	ssub.s32 $0x0, s21;
	[sflag:s23] =	ssyncset.done $0x0  }
0x18: {  	[sflag:s23] =	ssyncadd.s32 s2;
	_ =	sdelay $0x1  }
0x19: {  	s24 =	simm.s32 $0x1B8B  }
0x1a: {  	_ =	swait.ge [sflag:s24], $0x1  }
0x1b: {  	[sflag:s24] =	ssyncset.done $0x0  }
0x1c: {  	s26 =	simm.s32 $0x1B8E;
	s25 =	sld [smem:$0x3FFE];
	[sflag:s24] =	ssyncadd.s32 $0xFFFFFFFF  }
0x1d: {  	s27 =	simm.s32 $execute0_lowered;
	[smem:$0x3FD2] =	sst s26  }
0x1e: {  	s4 =	sshll.u32 s27, $0x1;
	_ =	strace $0x80000049;
	[dreg:$0x1] =	wrdreg $0xFFFFFFFF  }
0x1f: {  	s28 =	simm.s32 $_size_execute0_lowered;
	s1 =	sadd.s32 s1, s4;
	[dreg:$0x0] =	wrdreg $0x0  }
0x20: {  	s4 =	sshll.u32 s28, $0x1;
	[dreg:$0x2] =	wrdreg s1  }
0x21: {  	[dreg:$0x3] =	wrdreg s4  }
0x22: {  	[dreg:$0x4] =	wrdreg $0xC0  }
0x23: {  	_ =	task [dreg:s6], $0x5FFFF  }
0x24: {  	[dreg:$0x1] =	wrdreg $0xFFFFFFFF  }
0x25: {  	[dreg:$0x0] =	wrdreg $0x60  }
0x26: {  	[dreg:$0x2] =	wrdreg s25  }
0x27: {  	[dreg:$0x3] =	wrdreg $0x9  }
0x28: {  	_ =	task.clear_ibuf [dreg:s6], $0x4FFFF;
	_ =	strace $0x90000049  }
0x29: {  	s29 =	simm.s32 $0x9;
	_ =	strace $0x8000004B  }
0x2a: {  	_ =	swait.ge [sflag:s29], $0x1  }
0x2b: {  	[sflag:s29] =	ssyncadd.s32 $0xFFFFFFFF  }
0x2c: {  	_ =	strace $0x9000004B  }
0x2d: {  	_ =	sfence  }
0x2e: {  	s30 =	sld [smem:$0x0];
	_ =	sdelay $0x2  }
0x2f: {  	s31 =	sshll.u32 s3, $0xD;
	s3 =	sshrl.u32 s3, $0x2  }
0x30: {  	s2 =	sand.u32 $0x4000, s31;
	s1 =	sadd.s32 s3, s30  }
0x31: {  	s0 =	sor.u32 s2, s0;
	s1 =	sshll.u32 s1, $0x11  }
0x32: {  	s0 =	sor.u32 s1, s0  }
0x33: {  	s0 =	sadd.s32 $0x8F2B, s0  }
0x34: {  	[sflag:s0] =	ssyncadd.remote.s32 $0x1  }
0x35: {  	_ =	sfence.sel $0xFFFF  }
0x36: {  	[dreg:$0x0] =	wrdreg $0xFFFFFFFF;
	(pc) =	sbr.abs _section_cstart, $3  }
0x37: {  	[dreg:$0x1] =	wrdreg $0xFFFFFFFF  }
0x38: {  	_ =	task.clear_ibuf [dreg:s6], $0x2FFFF;
	_ =	strace $0x9FFFFFFF  }
0x39: {  	(tm) =	ssettm $0x7FFFFFFF  }
tec
execute0_lowered:
.L_overlay_start_1:
0x0: {  	(tag) =	ssettag $0x1  }
0x1: {  	s1 =	srdreg.scid  }
0x2: {  	s0 =	stileid.u32;
	s1 =	sshll.u32 s1, $0x4  }
0x3: {  	s4 =	rddreg [dreg:$0x0];
	s1 =	sor.u32 s0, s1  }
0x4: {  	s5 =	simm.s32 $0x1;
	s8 =	simm.s32 $0x2;
	s1 =	sshrl.u32 s1, $0x1  }
0x5: {  	s15 =	simm.s32 $0x0;
	s9 =	simm.s32 $0x800;
	s2 =	sand.u32 $0xC, s1  }
0x6: {  	s10 =	simm.s32 $0x3800;
	s16 =	simm.s32 $0x0;
	s3 =	ssub.s32 $0x38, s2  }
0x7: {  	s17 =	simm.s32 $0x0;
	s11 =	simm.s32 $0x0;
	s31 =	sand.u32 $0xC, s3  }
0x8: {  	s14 =	simm.s32 $0x0;
	s7 =	sand.u32 $0x7, s0;
	p0 =	sne.s32 s31, $0x0  }
.Ltmp0:
0x9: {  	s6 =	sshrl.u32 s3, $0x4;
	s5 =	simm.s32 @!p0 $0x0;
	(pc) =	sbr.rel .LBB1_1-.Ltmp0, $4  }
0xa: {  	s13 =	smov.u32 s7;
	s1 =	rddreg [dreg:$0x1];
	s6 =	sadd.s32 s5, s6  }
0xb: {  	_ =	strace $0x8000004A;
	s5 =	simm.s32 $0x1;
	s6 =	smul.u32 $0x7, s6  }
0xc: {  	s12 =	smov.u32 s2;
	s3 =	sadd.s32 $0x128A00, s4;
	[sflag:s5] =	ssyncpa.u1 $0x0  }
0xd: {  	s4 =	sadd.s32 $0x2B0A00, s4;
	[sflag:s8] =	ssyncpa.u1 $0x0;
	s8 =	sadd.s32 $0x1, s6  }
.LBB1_11:
0xe: {  	s18 =	sadd.s32 $0x8, s11  }
0xf: {  	s15 =	sadd.s32 $0x10, s12;
	s19 =	smov.u32 s12;
	p1 =	sgt.s32 s18, $0x37  }
0x10: {  	s19 =	smov.u32 @p1 s15  }
0x11: {  	s21 =	smov.u32 s13;
	s15 =	sadd.s32 $0x8, s13;
	p2 =	sgt.s32 s19, $0x37  }
0x12: {  	s21 =	smov.u32 @p2 s15  }
0x13: {  	s18 =	simm.s32 @p1 $0x0;
	p1 =	sgt.s32 s21, $0x7  }
0x14: {  	p0 =	slt.u32 s14, $0x2;
	s21 =	smov.u32 @p1 s7;
	p1 =	sne.s32 s14, s8  }
.Ltmp1:
0x15: {  	s20 =	simm.s32 @!p0 $0x2;
	(pc) =	sbr.rel @!p1 .LBB1_12-.Ltmp1, $4  }
0x16: {  	s16 =	smov.u32 s12;
	_ =	swait.ge @!p0 [sflag:s20], $0x4000  }
0x17: {  	s17 =	smov.u32 s13;
	[sflag:s20] =	ssyncset.done @!p0 $0x0;
	s19 =	smov.u32 @p2 s2  }
0x18: {  	s15 =	smov.u32 s11;
	[sflag:s20] =	ssyncadd.s32 @!p0 $0xFFFFC000;
	s11 =	smov.u32 s18  }
0x19: {  	s12 =	smov.u32 s19;
	s14 =	sadd.s32 $0x1, s14;
	s13 =	smov.u32 s21  }
.LBB1_1:
0x1a: {  	p0 =	sge.u32 s14, s6  }
0x1b: {  	s18 =	smul.u32 @!p0 $0x31000, s13  }
0x1c: {  	s19 =	sxor.u32 @!p0 $0xFFFFFFFF, s14;
	s20 =	smul.u32 @!p0 $0xE00, s12  }
0x1d: {  	s31 =	sadd.s32 $0xFFFFFFFF, s14;
	s19 =	sshll.u32 @!p0 s19, $0xE;
	s18 =	sadd.s32 @!p0 s3, s18  }
0x1e: {  	s21 =	sshll.u32 @!p0 s11, $0x6;
	s19 =	sand.u32 @!p0 $0x4000, s19;
	s18 =	sadd.s32 @!p0 s20, s18  }
0x1f: {  	s20 =	simm.s32 @!p0 $0x1000;
	s18 =	sadd.s32 @!p0 s21, s18;
	s21 =	simm.s32 @!p0 $0x7000  }
0x20: {  	[tilespmem:s19], [sflag:$0x1] =	stream.strided.gather @!p0 [hbm4b:s18+s20], $0x4000, s21, s20, $0x38;
	[tilespmem:$0x10000] =	vst v63  }
0x21: {  	p0 =	sge.u32 s31, s6  }
.Ltmp2:
0x22: {  	_ = 	snop;
	(pc) =	sbr.rel @p0 .LBB1_11-.Ltmp2, $1  }
0x23: {  	_ =	sdelay $0x3  }
0x24: {  	_ =	swait.ge [sflag:s5], $0x4000;
	s18 =	sshll.u32 s14, $0xE  }
0x25: {  	[sflag:s5] =	ssyncset.done $0x0;
	s19 =	sand.u32 $0x4000, s18  }
0x26: {  	s20 =	simm.s32 $0x0;
	[sflag:s5] =	ssyncadd.s32 $0xFFFFC000;
	s18 =	sor.u32 $0x8000, s19  }
.LBB1_3:
0x27: {  	s22 =	sshll.u32 s20, $0xC  }
0x28: {  	s23 =	simm.s32 $0x0;
	s21 =	sadd.s32 s22, s19;
	s22 =	sadd.s32 s22, s18  }
.LBB1_4:
0x29: {  	s24 =	sshll.u32 s23, $0x9;
	s25 =	sshll.u32 s23, $0x8  }
0x2a: {  	s26 =	simm.s32 $0x0;
	s24 =	sand.u32 $0x3FFFFE00, s24;
	s25 =	sand.u32 $0x3FFFFF00, s25  }
0x2b: {  	p1 =	por $0x1, $0x1;
	s24 =	sadd.s32 s24, s21;
	s25 =	sadd.s32 s25, s22  }
.LBB1_5:
0x2c: {  	s27 =	sshll.u32 s26, $0x8  }
0x2d: {  	s27 =	sand.u32 $0x3FFFFF00, s27  }
0x2e: {  	s27 =	sadd.s32 s27, s24  }
0x2f: {  	v0 =	vmov s27  }
0x30: {  	s31 =	sshll.u32 s26, $0xB  }
0x31: {  	s26 =	sand.u32 $0x3FFFF800, s31  }
0x32: {  	s26 =	sadd.s32 s26, s25  }
0x33: {  	p0 =	por p1, p1;
	p1 =	por $0x1, $0x1;
	v1 =	vmov s26;
	s26 =	simm.s32 $0x0  }
.LBB1_6:
0x34: {  	v2 =	vld.idx.msk [tilespmem:v0+s26+$0x0 ss:$0x1], $0xffff  }
0x35: {  	v3 =	vld.idx.msk [tilespmem:v0+s26+$0x10 ss:$0x1], $0xffff  }
0x36: {  	v4 =	vld.idx.msk [tilespmem:v0+s26+$0x20 ss:$0x1], $0xffff  }
0x37: {  	v5 =	vld.idx.msk [tilespmem:v0+s26+$0x30 ss:$0x1], $0xffff  }
0x38: {  	v6 =	vld.idx.msk [tilespmem:v0+s26+$0x40 ss:$0x1], $0xffff  }
0x39: {  	v63 =	vld.idx.msk [tilespmem:v0+s26+$0x70 ss:$0x1], $0xffff;
	[tilespmem:v1+s26+$0x0 ss:$0x1] =	vst.idx.msk $0xffff, v2  }
0x3a: {  	v2 =	vld.idx.msk [tilespmem:v0+s26+$0x50 ss:$0x1], $0xffff;
	[tilespmem:v1+s26+$0x10 ss:$0x1] =	vst.idx.msk $0xffff, v3  }
0x3b: {  	p2 =	por p1, p1;
	v3 =	vld.idx.msk [tilespmem:v0+s26+$0x60 ss:$0x1], $0xffff;
	[tilespmem:v1+s26+$0x20 ss:$0x1] =	vst.idx.msk $0xffff, v4  }
.Ltmp3:
0x3c: {  	[tilespmem:v1+s26+$0x30 ss:$0x1] =	vst.idx.msk $0xffff, v5;
	(pc) =	sbr.rel @p2 .LBB1_6-.Ltmp3, $4  }
0x3d: {  	[tilespmem:v1+s26+$0x40 ss:$0x1] =	vst.idx.msk $0xffff, v6  }
0x3e: {  	[tilespmem:v1+s26+$0x70 ss:$0x1] =	vst.idx.msk $0xffff, v63  }
0x3f: {  	[tilespmem:v1+s26+$0x50 ss:$0x1] =	vst.idx.msk $0xffff, v2  }
0x40: {  	p1 =	por $0x0, $0x0;
	[tilespmem:v1+s26+$0x60 ss:$0x1] =	vst.idx.msk $0xffff, v3;
	s26 =	simm.s32 $0x80  }
.Ltmp4:
0x41: {  	(pc) =	sbr.rel @p0 .LBB1_5-.Ltmp4, $2  }
0x42: {  	_ =	sdelay $0x2  }
0x43: {  	s26 =	simm.s32 $0x1;
	p1 =	por $0x0, $0x0  }
0x44: {  	s23 =	sadd.s32 $0x1, s23  }
0x45: {  	p0 =	sne.s32 s23, $0x8  }
.Ltmp5:
0x46: {  	_ = 	snop;
	(pc) =	sbr.rel @p0 .LBB1_4-.Ltmp5, $1  }
0x47: {  	_ =	sdelay $0x3  }
0x48: {  	s20 =	sadd.s32 $0x1, s20  }
0x49: {  	p0 =	sne.s32 s20, $0x4  }
.Ltmp6:
0x4a: {  	_ = 	snop;
	(pc) =	sbr.rel @p0 .LBB1_3-.Ltmp6, $1  }
0x4b: {  	_ =	sdelay $0x3  }
0x4c: {  	s17 =	smul.u32 $0x31000, s17  }
0x4d: {  	s16 =	smul.u32 $0xE00, s16  }
.Ltmp7:
0x4e: {  	_ = 	snop;
	(pc) =	sbr.rel .LBB1_11-.Ltmp7, $4  }
0x4f: {  	s17 =	sadd.s32 s4, s17  }
0x50: {  	s15 =	sshll.u32 s15, $0x5;
	s16 =	sadd.s32 s16, s17  }
0x51: {  	s15 =	sadd.s32 s15, s16  }
0x52: {  	[hbm4b:s15+s9] =	stream.strided.scatter [tilespmem:s18], [sflag:$0x2], $0x4000, s10, s9, $0x38;
	[tilespmem:$0x10000] =	vst v63  }
.LBB1_12:
0x53: {  	_ =	sfence.sel $0x180000  }
0x54: {  	s2 =	simm.s32 $0x1;
	[bflag:$0x0] =	sbarrier.arrive $0xFFFF  }
0x55: {  	s31 =	simm.s32 $0x2;
	[sflag:s2] =	ssyncpa.u1 $0x1  }
0x56: {  	[sflag:s31] =	ssyncpa.u1 $0x1  }
0x57: {  	p0 =	sne.s32 s0, $0x0;
	_ =	strace $0x9000004A  }
0x58: {  	s0 =	sadd.s32 @!p0 $0x100000, s1;
	[bflag:$0x2] =	sbarrier.arrive $0xFFFF  }
0x59: {  	[sflag:s0] =	ssyncadd.tile.s32 @!p0 $0x1;
	_ =	shalt  }
.Lfunc_end1:
_tile_overlayer_lowered:
.L_overlay_start_2:
0x5a: {  	(tag) =	ssettag $0x2  }
0x5b: {  	s0 =	rddreg [dreg:$0x0];
	s2 =	stileid.u32  }
0x5c: {  	s1 =	rddreg [dreg:$0x1];
	p0 =	sne.s32 s2, $0x0  }
0x5d: {  	s3 =	rddreg [dreg:$0x2];
	[bflag:$0x3] =	sbarrier.arrive $0xFFFF;
	s2 =	simm.s32 @!p0 $0x1C01  }
0x5e: {  	[timem:s3], [sflag:s2] =	dma.local @!p0 [hbm:s0], s1  }
0x5f: {  	s0 =	simm.s32 @!p0 $0x1  }
0x60: {  	_ =	swait.ge @!p0 [sflag:s0], s1  }
0x61: {  	s1 =	ssub.s32 @!p0 $0x0, s1;
	[sflag:s0] =	ssyncset.done @!p0 $0x0  }
0x62: {  	[sflag:s0] =	ssyncadd.s32 @!p0 s1  }
0x63: {  	[bflag:$0x3] =	sbarrier.arrive $0xFFFF  }
0x64: {  	_ =	shalt  }

</sc_bundles>
